<compile_context>
chip_gen: v7x
topology: tpu7x:2x2x1
jax: 0.10.2.dev20260603
libtpu: 0.0.44.dev20260713+nightly
codegen_flags: <defaults>
</compile_context>

<pallas_src>
import functools

import jax
import jax.numpy as jnp
from jax import lax
from jax.experimental import pallas as pl
from jax.experimental.pallas import tpu as pltpu
from jax.experimental.pallas import tpu_sc as plsc


@functools.lru_cache(maxsize=None)
def _gather_fn(B, D, NC, NS, CH, NB, K):
    NW = NC * NS
    b_per_w = B // NW
    n_ch = b_per_w // CH
    n_grp = n_ch // NB
    mesh = plsc.VectorSubcoreMesh(core_axis_name="c", subcore_axis_name="s")

    @functools.partial(
        pl.kernel,
        mesh=mesh,
        out_type=jax.ShapeDtypeStruct((B, D), jnp.float32),
        scratch_types=[
            pltpu.VMEM((b_per_w,), jnp.int32),
            pltpu.VMEM((NB, CH, D), jnp.float32),
        ]
        + [pltpu.SemaphoreType.DMA] * (2 * NB),
        compiler_params=pltpu.CompilerParams(use_tc_tiling_on_sc=True),
    )
    def k(table_hbm, idx_hbm, out_hbm, idx_v, rows_v, *sems):
        gsems, osems = sems[:NB], sems[NB:]
        wid = lax.axis_index("s") * NC + lax.axis_index("c")
        base = wid * b_per_w
        pltpu.sync_copy(idx_hbm.at[pl.ds(base, b_per_w)], idx_v)

        def start_gather(j, b):
            pltpu.async_copy(
                table_hbm.at[idx_v.at[pl.ds(j * CH, CH)]], rows_v.at[b], gsems[b]
            )

        def wait_gather(j, b):
            pltpu.make_async_copy(
                table_hbm.at[idx_v.at[pl.ds(j * CH, CH)]], rows_v.at[b], gsems[b]
            ).wait()

        def wait_write(b):
            pltpu.make_async_copy(
                rows_v.at[b], out_hbm.at[pl.ds(base, CH)], osems[b]
            ).wait()

        for b in range(K):
            start_gather(b, b)

        def body(jo, carry):
            for b in range(NB):
                j = jo * NB + b
                bp = (b + K) % NB

                @pl.when((j + K < n_ch) & (j + K >= NB))
                def _():
                    wait_write(bp)

                @pl.when(j + K < n_ch)
                def _():
                    start_gather(j + K, bp)

                wait_gather(j, b)
                pltpu.async_copy(
                    rows_v.at[b], out_hbm.at[pl.ds(base + j * CH, CH)], osems[b]
                )

            return carry

        lax.fori_loop(0, n_grp, body, 0)

        for b in range(NB):
            wait_write(b)

    return k


def kernel(idx, table):
    B0, S = idx.shape
    V, D = table.shape
    B = B0 * S
    info = plsc.get_sparse_core_info()
    NC, NS = info.num_cores, info.num_subcores
    CH, NB, K = 64, 10, 5
    idx_t = idx.astype(jnp.int32).T.reshape(B)
    out = _gather_fn(B, D, NC, NS, CH, NB, K)(table, idx_t)
    return out.reshape(S, B0, D).transpose(1, 0, 2)

# --- scband reference (transcript-rebuilt; emitter-appended) ---
"""Pipeline reference for scband-token-embedding-51178830299488 (READ-ONLY COPY).

The authoritative reference and input builder live on the scoring server;
editing this copy changes nothing except your own understanding.
"""

import jax, jax.numpy as jnp
import numpy as np

VOCAB = 100000
EMBED = 128

def setup_inputs(seed: int = 0) -> dict:
    key = jax.random.key(seed)
    k_idx, k_tab = jax.random.split(key)
    idx = jax.random.randint(k_idx, (4096, 50), 0, VOCAB, dtype=jnp.int64 if jax.config.jax_enable_x64 else jnp.int32)
    table = jax.random.normal(k_tab, (VOCAB, EMBED), dtype=jnp.float32)
    return {"idx": idx, "table": table}

def reference(idx, table):
    # TokenEmbedding.forward: nn.Embedding lookup -> gather rows of table
    return jnp.take(table, idx, axis=0)

if __name__ == "__main__":
    import jax
    _d = setup_inputs()
    print(jax.jit(kernel)(*tuple(_d.values())))

</pallas_src>

<mosaic_0001>
#map = affine_map<(d0, d1) -> (0, 0)>
#map1 = affine_map<(d0, d1) -> (0)>
module attributes {stable_mosaic.version = 14 : i64} {
  func.func @k(%arg0: i32, %arg1: i32, %arg2: memref<100000x128xf32, #tpu.memory_space<hbm>>, %arg3: memref<204800xi32, #tpu.memory_space<hbm>>, %arg4: memref<204800x128xf32, #tpu.memory_space<hbm>>, %arg5: memref<6400xi32, #tpu.memory_space<vmem>>, %arg6: memref<10x64x128xf32, #tpu.memory_space<vmem>>, %arg7: memref<!tpu.dma_semaphore, #tpu.memory_space<semaphore_mem>>, %arg8: memref<!tpu.dma_semaphore, #tpu.memory_space<semaphore_mem>>, %arg9: memref<!tpu.dma_semaphore, #tpu.memory_space<semaphore_mem>>, %arg10: memref<!tpu.dma_semaphore, #tpu.memory_space<semaphore_mem>>, %arg11: memref<!tpu.dma_semaphore, #tpu.memory_space<semaphore_mem>>, %arg12: memref<!tpu.dma_semaphore, #tpu.memory_space<semaphore_mem>>, %arg13: memref<!tpu.dma_semaphore, #tpu.memory_space<semaphore_mem>>, %arg14: memref<!tpu.dma_semaphore, #tpu.memory_space<semaphore_mem>>, %arg15: memref<!tpu.dma_semaphore, #tpu.memory_space<semaphore_mem>>, %arg16: memref<!tpu.dma_semaphore, #tpu.memory_space<semaphore_mem>>, %arg17: memref<!tpu.dma_semaphore, #tpu.memory_space<semaphore_mem>>, %arg18: memref<!tpu.dma_semaphore, #tpu.memory_space<semaphore_mem>>, %arg19: memref<!tpu.dma_semaphore, #tpu.memory_space<semaphore_mem>>, %arg20: memref<!tpu.dma_semaphore, #tpu.memory_space<semaphore_mem>>, %arg21: memref<!tpu.dma_semaphore, #tpu.memory_space<semaphore_mem>>, %arg22: memref<!tpu.dma_semaphore, #tpu.memory_space<semaphore_mem>>, %arg23: memref<!tpu.dma_semaphore, #tpu.memory_space<semaphore_mem>>, %arg24: memref<!tpu.dma_semaphore, #tpu.memory_space<semaphore_mem>>, %arg25: memref<!tpu.dma_semaphore, #tpu.memory_space<semaphore_mem>>, %arg26: memref<!tpu.dma_semaphore, #tpu.memory_space<semaphore_mem>>) attributes {dimension_semantics = [#tpu.dimension_semantics<core_parallel>, #tpu.dimension_semantics<subcore_parallel>], iteration_bounds = array<i64: 2, 16>, scalar_prefetch = 0 : i64, scratch_operands = 22 : i64, tpu.core_type = #tpu.core_type<sc_vector_subcore>, window_params = [{transform_indices = #map}, {transform_indices = #map1}, {transform_indices = #map}]} {
    %mul3A = arith.constant 2 : i32
    %mul3A_0 = arith.muli %arg1, %mul3A : i32
    %add3A = arith.addi %mul3A_0, %arg0 : i32
    %mul3A_1 = arith.constant 6400 : i32
    %mul3A_2 = arith.muli %add3A, %mul3A_1 : i32
    "tpu.region"() ({
      %run_scoped3A = tpu.sem_alloc : memref<!tpu.dma_semaphore, #tpu.memory_space<semaphore_mem>>
      %dma_start3A_186 = tpu.memref_slice %arg3[%mul3A_2] : memref<204800xi32, #tpu.memory_space<hbm>> -> memref<6400xi32, #tpu.memory_space<hbm>>
      %dma_start3A_187 = tpu.memref_slice %arg3[%mul3A_2] : memref<204800xi32, #tpu.memory_space<hbm>> -> memref<6400xi32, #tpu.memory_space<hbm>>
      tpu.enqueue_dma source(%dma_start3A_187 : memref<6400xi32, #tpu.memory_space<hbm>>) target(%arg5 : memref<6400xi32, #tpu.memory_space<vmem>>) target_semaphore(%run_scoped3A : memref<!tpu.dma_semaphore, #tpu.memory_space<semaphore_mem>>)
      %dma_wait3A_188 = tpu.memref_slice %arg3[%mul3A_2] : memref<204800xi32, #tpu.memory_space<hbm>> -> memref<6400xi32, #tpu.memory_space<hbm>>
      %dma_wait3A_189 = tpu.memref_slice %arg3[%mul3A_2] : memref<204800xi32, #tpu.memory_space<hbm>> -> memref<6400xi32, #tpu.memory_space<hbm>>
      tpu.wait_dma2 semaphore(%run_scoped3A : memref<!tpu.dma_semaphore, #tpu.memory_space<semaphore_mem>>) src(%dma_wait3A_189 : memref<6400xi32, #tpu.memory_space<hbm>>) dst(%arg5 : memref<6400xi32, #tpu.memory_space<vmem>>)
      tpu.yield
    }) : () -> ()
    %dma_start3A = arith.constant 0 : i32
    %dma_start3A_3 = arith.constant 0 : i32
    %dma_start3A_4 = arith.constant 0 : i32
    %dma_start3A_5 = tpu.memref_slice %arg6[%dma_start3A, %dma_start3A_3, %dma_start3A_4] : memref<10x64x128xf32, #tpu.memory_space<vmem>> -> memref<1x64x128xf32, #tpu.memory_space<vmem>>
    %dma_start3A_6 = tpu.memref_squeeze %dma_start3A_5 : memref<1x64x128xf32, #tpu.memory_space<vmem>> -> memref<64x128xf32, #tpu.memory_space<vmem>>
    %dma_start3A_7 = arith.constant 0 : i32
    %dma_start3A_8 = tpu.memref_slice %arg5[%dma_start3A_7] : memref<6400xi32, #tpu.memory_space<vmem>> -> memref<64xi32, #tpu.memory_space<vmem>>
    %dma_start3A_9 = arith.constant 0 : i32
    %dma_start3A_10 = arith.constant 0 : i32
    %dma_start3A_11 = tpu.memref_slice %arg2[%dma_start3A_9, %dma_start3A_10] : memref<100000x128xf32, #tpu.memory_space<hbm>> -> memref<100000x128xf32, #tpu.memory_space<hbm>>
    tpu.enqueue_indirect_dma source(%dma_start3A_11 : memref<100000x128xf32, #tpu.memory_space<hbm>>) target(%dma_start3A_6 : memref<64x128xf32, #tpu.memory_space<vmem>>) offsets(%dma_start3A_8 : memref<64xi32, #tpu.memory_space<vmem>>) semaphore(%arg7 : memref<!tpu.dma_semaphore, #tpu.memory_space<semaphore_mem>>)
    %dma_start3A_12 = arith.constant 1 : i32
    %dma_start3A_13 = arith.constant 0 : i32
    %dma_start3A_14 = arith.constant 0 : i32
    %dma_start3A_15 = tpu.memref_slice %arg6[%dma_start3A_12, %dma_start3A_13, %dma_start3A_14] : memref<10x64x128xf32, #tpu.memory_space<vmem>> -> memref<1x64x128xf32, #tpu.memory_space<vmem>>
    %dma_start3A_16 = tpu.memref_squeeze %dma_start3A_15 : memref<1x64x128xf32, #tpu.memory_space<vmem>> -> memref<64x128xf32, #tpu.memory_space<vmem>>
    %dma_start3A_17 = arith.constant 64 : i32
    %dma_start3A_18 = tpu.memref_slice %arg5[%dma_start3A_17] : memref<6400xi32, #tpu.memory_space<vmem>> -> memref<64xi32, #tpu.memory_space<vmem>>
    %dma_start3A_19 = arith.constant 0 : i32
    %dma_start3A_20 = arith.constant 0 : i32
    %dma_start3A_21 = tpu.memref_slice %arg2[%dma_start3A_19, %dma_start3A_20] : memref<100000x128xf32, #tpu.memory_space<hbm>> -> memref<100000x128xf32, #tpu.memory_space<hbm>>
    tpu.enqueue_indirect_dma source(%dma_start3A_21 : memref<100000x128xf32, #tpu.memory_space<hbm>>) target(%dma_start3A_16 : memref<64x128xf32, #tpu.memory_space<vmem>>) offsets(%dma_start3A_18 : memref<64xi32, #tpu.memory_space<vmem>>) semaphore(%arg8 : memref<!tpu.dma_semaphore, #tpu.memory_space<semaphore_mem>>)
    %dma_start3A_22 = arith.constant 2 : i32
    %dma_start3A_23 = arith.constant 0 : i32
    %dma_start3A_24 = arith.constant 0 : i32
    %dma_start3A_25 = tpu.memref_slice %arg6[%dma_start3A_22, %dma_start3A_23, %dma_start3A_24] : memref<10x64x128xf32, #tpu.memory_space<vmem>> -> memref<1x64x128xf32, #tpu.memory_space<vmem>>
    %dma_start3A_26 = tpu.memref_squeeze %dma_start3A_25 : memref<1x64x128xf32, #tpu.memory_space<vmem>> -> memref<64x128xf32, #tpu.memory_space<vmem>>
    %dma_start3A_27 = arith.constant 128 : i32
    %dma_start3A_28 = tpu.memref_slice %arg5[%dma_start3A_27] : memref<6400xi32, #tpu.memory_space<vmem>> -> memref<64xi32, #tpu.memory_space<vmem>>
    %dma_start3A_29 = arith.constant 0 : i32
    %dma_start3A_30 = arith.constant 0 : i32
    %dma_start3A_31 = tpu.memref_slice %arg2[%dma_start3A_29, %dma_start3A_30] : memref<100000x128xf32, #tpu.memory_space<hbm>> -> memref<100000x128xf32, #tpu.memory_space<hbm>>
    tpu.enqueue_indirect_dma source(%dma_start3A_31 : memref<100000x128xf32, #tpu.memory_space<hbm>>) target(%dma_start3A_26 : memref<64x128xf32, #tpu.memory_space<vmem>>) offsets(%dma_start3A_28 : memref<64xi32, #tpu.memory_space<vmem>>) semaphore(%arg9 : memref<!tpu.dma_semaphore, #tpu.memory_space<semaphore_mem>>)
    %dma_start3A_32 = arith.constant 3 : i32
    %dma_start3A_33 = arith.constant 0 : i32
    %dma_start3A_34 = arith.constant 0 : i32
    %dma_start3A_35 = tpu.memref_slice %arg6[%dma_start3A_32, %dma_start3A_33, %dma_start3A_34] : memref<10x64x128xf32, #tpu.memory_space<vmem>> -> memref<1x64x128xf32, #tpu.memory_space<vmem>>
    %dma_start3A_36 = tpu.memref_squeeze %dma_start3A_35 : memref<1x64x128xf32, #tpu.memory_space<vmem>> -> memref<64x128xf32, #tpu.memory_space<vmem>>
    %dma_start3A_37 = arith.constant 192 : i32
    %dma_start3A_38 = tpu.memref_slice %arg5[%dma_start3A_37] : memref<6400xi32, #tpu.memory_space<vmem>> -> memref<64xi32, #tpu.memory_space<vmem>>
    %dma_start3A_39 = arith.constant 0 : i32
    %dma_start3A_40 = arith.constant 0 : i32
    %dma_start3A_41 = tpu.memref_slice %arg2[%dma_start3A_39, %dma_start3A_40] : memref<100000x128xf32, #tpu.memory_space<hbm>> -> memref<100000x128xf32, #tpu.memory_space<hbm>>
    tpu.enqueue_indirect_dma source(%dma_start3A_41 : memref<100000x128xf32, #tpu.memory_space<hbm>>) target(%dma_start3A_36 : memref<64x128xf32, #tpu.memory_space<vmem>>) offsets(%dma_start3A_38 : memref<64xi32, #tpu.memory_space<vmem>>) semaphore(%arg10 : memref<!tpu.dma_semaphore, #tpu.memory_space<semaphore_mem>>)
    %dma_start3A_42 = arith.constant 4 : i32
    %dma_start3A_43 = arith.constant 0 : i32
    %dma_start3A_44 = arith.constant 0 : i32
    %dma_start3A_45 = tpu.memref_slice %arg6[%dma_start3A_42, %dma_start3A_43, %dma_start3A_44] : memref<10x64x128xf32, #tpu.memory_space<vmem>> -> memref<1x64x128xf32, #tpu.memory_space<vmem>>
    %dma_start3A_46 = tpu.memref_squeeze %dma_start3A_45 : memref<1x64x128xf32, #tpu.memory_space<vmem>> -> memref<64x128xf32, #tpu.memory_space<vmem>>
    %dma_start3A_47 = arith.constant 256 : i32
    %dma_start3A_48 = tpu.memref_slice %arg5[%dma_start3A_47] : memref<6400xi32, #tpu.memory_space<vmem>> -> memref<64xi32, #tpu.memory_space<vmem>>
    %dma_start3A_49 = arith.constant 0 : i32
    %dma_start3A_50 = arith.constant 0 : i32
    %dma_start3A_51 = tpu.memref_slice %arg2[%dma_start3A_49, %dma_start3A_50] : memref<100000x128xf32, #tpu.memory_space<hbm>> -> memref<100000x128xf32, #tpu.memory_space<hbm>>
    tpu.enqueue_indirect_dma source(%dma_start3A_51 : memref<100000x128xf32, #tpu.memory_space<hbm>>) target(%dma_start3A_46 : memref<64x128xf32, #tpu.memory_space<vmem>>) offsets(%dma_start3A_48 : memref<64xi32, #tpu.memory_space<vmem>>) semaphore(%arg11 : memref<!tpu.dma_semaphore, #tpu.memory_space<semaphore_mem>>)
    %scan3A = arith.constant 0 : i32
    %scan3A_52 = arith.constant 0 : i32
    %scan3A_53 = arith.constant 10 : i32
    %scan3A_54 = arith.addi %scan3A_52, %scan3A_53 : i32
    %scan3A_55 = arith.constant 1 : i32
    scf.for %scan3A_186 = %scan3A_52 to %scan3A_54 step %scan3A_55  : i32 {
      %mul3A_187 = arith.constant 10 : i32
      %mul3A_188 = arith.muli %scan3A_186, %mul3A_187 : i32
      %add3A_189 = arith.constant 0 : i32
      %add3A_190 = arith.addi %mul3A_188, %add3A_189 : i32
      %add3A_191 = arith.constant 5 : i32
      %add3A_192 = arith.addi %add3A_190, %add3A_191 : i32
      %lt3A = arith.constant 100 : i32
      %lt3A_193 = arith.cmpi slt, %add3A_192, %lt3A : i32
      %add3A_194 = arith.constant 5 : i32
      %add3A_195 = arith.addi %add3A_190, %add3A_194 : i32
      %ge3A = arith.constant 10 : i32
      %ge3A_196 = arith.cmpi sge, %add3A_195, %ge3A : i32
      %and3A = arith.andi %lt3A_193, %ge3A_196 : i1
      %convert_element_type3A = arith.extui %and3A : i1 to i32
      %cond3A = arith.constant 0 : i32
      %cond3A_197 = arith.cmpi ne, %convert_element_type3A, %cond3A : i32
      scf.if %cond3A_197 {
        %dma_wait3A_682 = arith.constant 5 : i32
        %dma_wait3A_683 = arith.constant 0 : i32
        %dma_wait3A_684 = arith.constant 0 : i32
        %dma_wait3A_685 = tpu.memref_slice %arg6[%dma_wait3A_682, %dma_wait3A_683, %dma_wait3A_684] : memref<10x64x128xf32, #tpu.memory_space<vmem>> -> memref<1x64x128xf32, #tpu.memory_space<vmem>>
        %dma_wait3A_686 = tpu.memref_squeeze %dma_wait3A_685 : memref<1x64x128xf32, #tpu.memory_space<vmem>> -> memref<64x128xf32, #tpu.memory_space<vmem>>
        %dma_wait3A_687 = arith.constant 0 : i32
        %dma_wait3A_688 = tpu.memref_slice %arg4[%mul3A_2, %dma_wait3A_687] : memref<204800x128xf32, #tpu.memory_space<hbm>> -> memref<64x128xf32, #tpu.memory_space<hbm>>
        %dma_wait3A_689 = arith.constant 0 : i32
        %dma_wait3A_690 = tpu.memref_slice %arg4[%mul3A_2, %dma_wait3A_689] : memref<204800x128xf32, #tpu.memory_space<hbm>> -> memref<64x128xf32, #tpu.memory_space<hbm>>
        %dma_wait3A_691 = arith.constant 0 : i32
        %dma_wait3A_692 = arith.constant 0 : i32
        %dma_wait3A_693 = tpu.memref_slice %arg6[%dma_wait3A_682, %dma_wait3A_691, %dma_wait3A_692] : memref<10x64x128xf32, #tpu.memory_space<vmem>> -> memref<1x64x128xf32, #tpu.memory_space<vmem>>
        %dma_wait3A_694 = tpu.memref_squeeze %dma_wait3A_693 : memref<1x64x128xf32, #tpu.memory_space<vmem>> -> memref<64x128xf32, #tpu.memory_space<vmem>>
        tpu.wait_dma2 semaphore(%arg22 : memref<!tpu.dma_semaphore, #tpu.memory_space<semaphore_mem>>) src(%dma_wait3A_694 : memref<64x128xf32, #tpu.memory_space<vmem>>) dst(%dma_wait3A_690 : memref<64x128xf32, #tpu.memory_space<hbm>>)
      } else {
      }
      %add3A_198 = arith.constant 5 : i32
      %add3A_199 = arith.addi %add3A_190, %add3A_198 : i32
      %lt3A_200 = arith.constant 100 : i32
      %lt3A_201 = arith.cmpi slt, %add3A_199, %lt3A_200 : i32
      %convert_element_type3A_202 = arith.extui %lt3A_201 : i1 to i32
      %cond3A_203 = arith.constant 0 : i32
      %cond3A_204 = arith.cmpi ne, %convert_element_type3A_202, %cond3A_203 : i32
      scf.if %cond3A_204 {
        %add3A_682 = arith.constant 5 : i32
        %add3A_683 = arith.addi %add3A_190, %add3A_682 : i32
        %mul3A_684 = arith.constant 64 : i32
        %mul3A_685 = arith.muli %add3A_683, %mul3A_684 : i32
        %dma_start3A_686 = arith.constant 5 : i32
        %dma_start3A_687 = arith.constant 0 : i32
        %dma_start3A_688 = arith.constant 0 : i32
        %dma_start3A_689 = tpu.memref_slice %arg6[%dma_start3A_686, %dma_start3A_687, %dma_start3A_688] : memref<10x64x128xf32, #tpu.memory_space<vmem>> -> memref<1x64x128xf32, #tpu.memory_space<vmem>>
        %dma_start3A_690 = tpu.memref_squeeze %dma_start3A_689 : memref<1x64x128xf32, #tpu.memory_space<vmem>> -> memref<64x128xf32, #tpu.memory_space<vmem>>
        %dma_start3A_691 = tpu.memref_slice %arg5[%mul3A_685] : memref<6400xi32, #tpu.memory_space<vmem>> -> memref<64xi32, #tpu.memory_space<vmem>>
        %dma_start3A_692 = arith.constant 0 : i32
        %dma_start3A_693 = arith.constant 0 : i32
        %dma_start3A_694 = tpu.memref_slice %arg2[%dma_start3A_692, %dma_start3A_693] : memref<100000x128xf32, #tpu.memory_space<hbm>> -> memref<100000x128xf32, #tpu.memory_space<hbm>>
        tpu.enqueue_indirect_dma source(%dma_start3A_694 : memref<100000x128xf32, #tpu.memory_space<hbm>>) target(%dma_start3A_690 : memref<64x128xf32, #tpu.memory_space<vmem>>) offsets(%dma_start3A_691 : memref<64xi32, #tpu.memory_space<vmem>>) semaphore(%arg12 : memref<!tpu.dma_semaphore, #tpu.memory_space<semaphore_mem>>)
      } else {
      }
      %mul3A_205 = arith.constant 64 : i32
      %mul3A_206 = arith.muli %add3A_190, %mul3A_205 : i32
      %dma_wait3A_207 = arith.constant 0 : i32
      %dma_wait3A_208 = arith.constant 0 : i32
      %dma_wait3A_209 = arith.constant 0 : i32
      %dma_wait3A_210 = tpu.memref_slice %arg6[%dma_wait3A_207, %dma_wait3A_208, %dma_wait3A_209] : memref<10x64x128xf32, #tpu.memory_space<vmem>> -> memref<1x64x128xf32, #tpu.memory_space<vmem>>
      %dma_wait3A_211 = tpu.memref_squeeze %dma_wait3A_210 : memref<1x64x128xf32, #tpu.memory_space<vmem>> -> memref<64x128xf32, #tpu.memory_space<vmem>>
      %dma_wait3A_212 = tpu.memref_slice %arg5[%mul3A_206] : memref<6400xi32, #tpu.memory_space<vmem>> -> memref<64xi32, #tpu.memory_space<vmem>>
      %dma_wait3A_213 = arith.constant 0 : i32
      %dma_wait3A_214 = arith.constant 0 : i32
      %dma_wait3A_215 = tpu.memref_slice %arg2[%dma_wait3A_213, %dma_wait3A_214] : memref<100000x128xf32, #tpu.memory_space<hbm>> -> memref<100000x128xf32, #tpu.memory_space<hbm>>
      tpu.wait_indirect_dma semaphore(%arg7 : memref<!tpu.dma_semaphore, #tpu.memory_space<semaphore_mem>>) src(%dma_wait3A_215 : memref<100000x128xf32, #tpu.memory_space<hbm>>) dst(%dma_wait3A_211 : memref<64x128xf32, #tpu.memory_space<vmem>>)
      %mul3A_216 = arith.constant 64 : i32
      %mul3A_217 = arith.muli %add3A_190, %mul3A_216 : i32
      %add3A_218 = arith.addi %mul3A_2, %mul3A_217 : i32
      %dma_start3A_219 = arith.constant 0 : i32
      %dma_start3A_220 = arith.constant 0 : i32
      %dma_start3A_221 = arith.constant 0 : i32
      %dma_start3A_222 = tpu.memref_slice %arg6[%dma_start3A_219, %dma_start3A_220, %dma_start3A_221] : memref<10x64x128xf32, #tpu.memory_space<vmem>> -> memref<1x64x128xf32, #tpu.memory_space<vmem>>
      %dma_start3A_223 = tpu.memref_squeeze %dma_start3A_222 : memref<1x64x128xf32, #tpu.memory_space<vmem>> -> memref<64x128xf32, #tpu.memory_space<vmem>>
      %dma_start3A_224 = arith.constant 0 : i32
      %dma_start3A_225 = tpu.memref_slice %arg4[%add3A_218, %dma_start3A_224] : memref<204800x128xf32, #tpu.memory_space<hbm>> -> memref<64x128xf32, #tpu.memory_space<hbm>>
      %dma_start3A_226 = arith.constant 0 : i32
      %dma_start3A_227 = tpu.memref_slice %arg4[%add3A_218, %dma_start3A_226] : memref<204800x128xf32, #tpu.memory_space<hbm>> -> memref<64x128xf32, #tpu.memory_space<hbm>>
      %dma_start3A_228 = arith.constant 0 : i32
      %dma_start3A_229 = arith.constant 0 : i32
      %dma_start3A_230 = tpu.memref_slice %arg6[%dma_start3A_219, %dma_start3A_228, %dma_start3A_229] : memref<10x64x128xf32, #tpu.memory_space<vmem>> -> memref<1x64x128xf32, #tpu.memory_space<vmem>>
      %dma_start3A_231 = tpu.memref_squeeze %dma_start3A_230 : memref<1x64x128xf32, #tpu.memory_space<vmem>> -> memref<64x128xf32, #tpu.memory_space<vmem>>
      tpu.enqueue_dma source(%dma_start3A_231 : memref<64x128xf32, #tpu.memory_space<vmem>>) target(%dma_start3A_227 : memref<64x128xf32, #tpu.memory_space<hbm>>) target_semaphore(%arg17 : memref<!tpu.dma_semaphore, #tpu.memory_space<semaphore_mem>>)
      %mul3A_232 = arith.constant 10 : i32
      %mul3A_233 = arith.muli %scan3A_186, %mul3A_232 : i32
      %add3A_234 = arith.constant 1 : i32
      %add3A_235 = arith.addi %mul3A_233, %add3A_234 : i32
      %add3A_236 = arith.constant 5 : i32
      %add3A_237 = arith.addi %add3A_235, %add3A_236 : i32
      %lt3A_238 = arith.constant 100 : i32
      %lt3A_239 = arith.cmpi slt, %add3A_237, %lt3A_238 : i32
      %add3A_240 = arith.constant 5 : i32
      %add3A_241 = arith.addi %add3A_235, %add3A_240 : i32
      %ge3A_242 = arith.constant 10 : i32
      %ge3A_243 = arith.cmpi sge, %add3A_241, %ge3A_242 : i32
      %and3A_244 = arith.andi %lt3A_239, %ge3A_243 : i1
      %convert_element_type3A_245 = arith.extui %and3A_244 : i1 to i32
      %cond3A_246 = arith.constant 0 : i32
      %cond3A_247 = arith.cmpi ne, %convert_element_type3A_245, %cond3A_246 : i32
      scf.if %cond3A_247 {
        %dma_wait3A_682 = arith.constant 6 : i32
        %dma_wait3A_683 = arith.constant 0 : i32
        %dma_wait3A_684 = arith.constant 0 : i32
        %dma_wait3A_685 = tpu.memref_slice %arg6[%dma_wait3A_682, %dma_wait3A_683, %dma_wait3A_684] : memref<10x64x128xf32, #tpu.memory_space<vmem>> -> memref<1x64x128xf32, #tpu.memory_space<vmem>>
        %dma_wait3A_686 = tpu.memref_squeeze %dma_wait3A_685 : memref<1x64x128xf32, #tpu.memory_space<vmem>> -> memref<64x128xf32, #tpu.memory_space<vmem>>
        %dma_wait3A_687 = arith.constant 0 : i32
        %dma_wait3A_688 = tpu.memref_slice %arg4[%mul3A_2, %dma_wait3A_687] : memref<204800x128xf32, #tpu.memory_space<hbm>> -> memref<64x128xf32, #tpu.memory_space<hbm>>
        %dma_wait3A_689 = arith.constant 0 : i32
        %dma_wait3A_690 = tpu.memref_slice %arg4[%mul3A_2, %dma_wait3A_689] : memref<204800x128xf32, #tpu.memory_space<hbm>> -> memref<64x128xf32, #tpu.memory_space<hbm>>
        %dma_wait3A_691 = arith.constant 0 : i32
        %dma_wait3A_692 = arith.constant 0 : i32
        %dma_wait3A_693 = tpu.memref_slice %arg6[%dma_wait3A_682, %dma_wait3A_691, %dma_wait3A_692] : memref<10x64x128xf32, #tpu.memory_space<vmem>> -> memref<1x64x128xf32, #tpu.memory_space<vmem>>
        %dma_wait3A_694 = tpu.memref_squeeze %dma_wait3A_693 : memref<1x64x128xf32, #tpu.memory_space<vmem>> -> memref<64x128xf32, #tpu.memory_space<vmem>>
        tpu.wait_dma2 semaphore(%arg23 : memref<!tpu.dma_semaphore, #tpu.memory_space<semaphore_mem>>) src(%dma_wait3A_694 : memref<64x128xf32, #tpu.memory_space<vmem>>) dst(%dma_wait3A_690 : memref<64x128xf32, #tpu.memory_space<hbm>>)
      } else {
      }
      %add3A_248 = arith.constant 5 : i32
      %add3A_249 = arith.addi %add3A_235, %add3A_248 : i32
      %lt3A_250 = arith.constant 100 : i32
      %lt3A_251 = arith.cmpi slt, %add3A_249, %lt3A_250 : i32
      %convert_element_type3A_252 = arith.extui %lt3A_251 : i1 to i32
      %cond3A_253 = arith.constant 0 : i32
      %cond3A_254 = arith.cmpi ne, %convert_element_type3A_252, %cond3A_253 : i32
      scf.if %cond3A_254 {
        %add3A_682 = arith.constant 5 : i32
        %add3A_683 = arith.addi %add3A_235, %add3A_682 : i32
        %mul3A_684 = arith.constant 64 : i32
        %mul3A_685 = arith.muli %add3A_683, %mul3A_684 : i32
        %dma_start3A_686 = arith.constant 6 : i32
        %dma_start3A_687 = arith.constant 0 : i32
        %dma_start3A_688 = arith.constant 0 : i32
        %dma_start3A_689 = tpu.memref_slice %arg6[%dma_start3A_686, %dma_start3A_687, %dma_start3A_688] : memref<10x64x128xf32, #tpu.memory_space<vmem>> -> memref<1x64x128xf32, #tpu.memory_space<vmem>>
        %dma_start3A_690 = tpu.memref_squeeze %dma_start3A_689 : memref<1x64x128xf32, #tpu.memory_space<vmem>> -> memref<64x128xf32, #tpu.memory_space<vmem>>
        %dma_start3A_691 = tpu.memref_slice %arg5[%mul3A_685] : memref<6400xi32, #tpu.memory_space<vmem>> -> memref<64xi32, #tpu.memory_space<vmem>>
        %dma_start3A_692 = arith.constant 0 : i32
        %dma_start3A_693 = arith.constant 0 : i32
        %dma_start3A_694 = tpu.memref_slice %arg2[%dma_start3A_692, %dma_start3A_693] : memref<100000x128xf32, #tpu.memory_space<hbm>> -> memref<100000x128xf32, #tpu.memory_space<hbm>>
        tpu.enqueue_indirect_dma source(%dma_start3A_694 : memref<100000x128xf32, #tpu.memory_space<hbm>>) target(%dma_start3A_690 : memref<64x128xf32, #tpu.memory_space<vmem>>) offsets(%dma_start3A_691 : memref<64xi32, #tpu.memory_space<vmem>>) semaphore(%arg13 : memref<!tpu.dma_semaphore, #tpu.memory_space<semaphore_mem>>)
      } else {
      }
      %mul3A_255 = arith.constant 64 : i32
      %mul3A_256 = arith.muli %add3A_235, %mul3A_255 : i32
      %dma_wait3A_257 = arith.constant 1 : i32
      %dma_wait3A_258 = arith.constant 0 : i32
      %dma_wait3A_259 = arith.constant 0 : i32
      %dma_wait3A_260 = tpu.memref_slice %arg6[%dma_wait3A_257, %dma_wait3A_258, %dma_wait3A_259] : memref<10x64x128xf32, #tpu.memory_space<vmem>> -> memref<1x64x128xf32, #tpu.memory_space<vmem>>
      %dma_wait3A_261 = tpu.memref_squeeze %dma_wait3A_260 : memref<1x64x128xf32, #tpu.memory_space<vmem>> -> memref<64x128xf32, #tpu.memory_space<vmem>>
      %dma_wait3A_262 = tpu.memref_slice %arg5[%mul3A_256] : memref<6400xi32, #tpu.memory_space<vmem>> -> memref<64xi32, #tpu.memory_space<vmem>>
      %dma_wait3A_263 = arith.constant 0 : i32
      %dma_wait3A_264 = arith.constant 0 : i32
      %dma_wait3A_265 = tpu.memref_slice %arg2[%dma_wait3A_263, %dma_wait3A_264] : memref<100000x128xf32, #tpu.memory_space<hbm>> -> memref<100000x128xf32, #tpu.memory_space<hbm>>
      tpu.wait_indirect_dma semaphore(%arg8 : memref<!tpu.dma_semaphore, #tpu.memory_space<semaphore_mem>>) src(%dma_wait3A_265 : memref<100000x128xf32, #tpu.memory_space<hbm>>) dst(%dma_wait3A_261 : memref<64x128xf32, #tpu.memory_space<vmem>>)
      %mul3A_266 = arith.constant 64 : i32
      %mul3A_267 = arith.muli %add3A_235, %mul3A_266 : i32
      %add3A_268 = arith.addi %mul3A_2, %mul3A_267 : i32
      %dma_start3A_269 = arith.constant 1 : i32
      %dma_start3A_270 = arith.constant 0 : i32
      %dma_start3A_271 = arith.constant 0 : i32
      %dma_start3A_272 = tpu.memref_slice %arg6[%dma_start3A_269, %dma_start3A_270, %dma_start3A_271] : memref<10x64x128xf32, #tpu.memory_space<vmem>> -> memref<1x64x128xf32, #tpu.memory_space<vmem>>
      %dma_start3A_273 = tpu.memref_squeeze %dma_start3A_272 : memref<1x64x128xf32, #tpu.memory_space<vmem>> -> memref<64x128xf32, #tpu.memory_space<vmem>>
      %dma_start3A_274 = arith.constant 0 : i32
      %dma_start3A_275 = tpu.memref_slice %arg4[%add3A_268, %dma_start3A_274] : memref<204800x128xf32, #tpu.memory_space<hbm>> -> memref<64x128xf32, #tpu.memory_space<hbm>>
      %dma_start3A_276 = arith.constant 0 : i32
      %dma_start3A_277 = tpu.memref_slice %arg4[%add3A_268, %dma_start3A_276] : memref<204800x128xf32, #tpu.memory_space<hbm>> -> memref<64x128xf32, #tpu.memory_space<hbm>>
      %dma_start3A_278 = arith.constant 0 : i32
      %dma_start3A_279 = arith.constant 0 : i32
      %dma_start3A_280 = tpu.memref_slice %arg6[%dma_start3A_269, %dma_start3A_278, %dma_start3A_279] : memref<10x64x128xf32, #tpu.memory_space<vmem>> -> memref<1x64x128xf32, #tpu.memory_space<vmem>>
      %dma_start3A_281 = tpu.memref_squeeze %dma_start3A_280 : memref<1x64x128xf32, #tpu.memory_space<vmem>> -> memref<64x128xf32, #tpu.memory_space<vmem>>
      tpu.enqueue_dma source(%dma_start3A_281 : memref<64x128xf32, #tpu.memory_space<vmem>>) target(%dma_start3A_277 : memref<64x128xf32, #tpu.memory_space<hbm>>) target_semaphore(%arg18 : memref<!tpu.dma_semaphore, #tpu.memory_space<semaphore_mem>>)
      %mul3A_282 = arith.constant 10 : i32
      %mul3A_283 = arith.muli %scan3A_186, %mul3A_282 : i32
      %add3A_284 = arith.constant 2 : i32
      %add3A_285 = arith.addi %mul3A_283, %add3A_284 : i32
      %add3A_286 = arith.constant 5 : i32
      %add3A_287 = arith.addi %add3A_285, %add3A_286 : i32
      %lt3A_288 = arith.constant 100 : i32
      %lt3A_289 = arith.cmpi slt, %add3A_287, %lt3A_288 : i32
      %add3A_290 = arith.constant 5 : i32
      %add3A_291 = arith.addi %add3A_285, %add3A_290 : i32
      %ge3A_292 = arith.constant 10 : i32
      %ge3A_293 = arith.cmpi sge, %add3A_291, %ge3A_292 : i32
      %and3A_294 = arith.andi %lt3A_289, %ge3A_293 : i1
      %convert_element_type3A_295 = arith.extui %and3A_294 : i1 to i32
      %cond3A_296 = arith.constant 0 : i32
      %cond3A_297 = arith.cmpi ne, %convert_element_type3A_295, %cond3A_296 : i32
      scf.if %cond3A_297 {
        %dma_wait3A_682 = arith.constant 7 : i32
        %dma_wait3A_683 = arith.constant 0 : i32
        %dma_wait3A_684 = arith.constant 0 : i32
        %dma_wait3A_685 = tpu.memref_slice %arg6[%dma_wait3A_682, %dma_wait3A_683, %dma_wait3A_684] : memref<10x64x128xf32, #tpu.memory_space<vmem>> -> memref<1x64x128xf32, #tpu.memory_space<vmem>>
        %dma_wait3A_686 = tpu.memref_squeeze %dma_wait3A_685 : memref<1x64x128xf32, #tpu.memory_space<vmem>> -> memref<64x128xf32, #tpu.memory_space<vmem>>
        %dma_wait3A_687 = arith.constant 0 : i32
        %dma_wait3A_688 = tpu.memref_slice %arg4[%mul3A_2, %dma_wait3A_687] : memref<204800x128xf32, #tpu.memory_space<hbm>> -> memref<64x128xf32, #tpu.memory_space<hbm>>
        %dma_wait3A_689 = arith.constant 0 : i32
        %dma_wait3A_690 = tpu.memref_slice %arg4[%mul3A_2, %dma_wait3A_689] : memref<204800x128xf32, #tpu.memory_space<hbm>> -> memref<64x128xf32, #tpu.memory_space<hbm>>
        %dma_wait3A_691 = arith.constant 0 : i32
        %dma_wait3A_692 = arith.constant 0 : i32
        %dma_wait3A_693 = tpu.memref_slice %arg6[%dma_wait3A_682, %dma_wait3A_691, %dma_wait3A_692] : memref<10x64x128xf32, #tpu.memory_space<vmem>> -> memref<1x64x128xf32, #tpu.memory_space<vmem>>
        %dma_wait3A_694 = tpu.memref_squeeze %dma_wait3A_693 : memref<1x64x128xf32, #tpu.memory_space<vmem>> -> memref<64x128xf32, #tpu.memory_space<vmem>>
        tpu.wait_dma2 semaphore(%arg24 : memref<!tpu.dma_semaphore, #tpu.memory_space<semaphore_mem>>) src(%dma_wait3A_694 : memref<64x128xf32, #tpu.memory_space<vmem>>) dst(%dma_wait3A_690 : memref<64x128xf32, #tpu.memory_space<hbm>>)
      } else {
      }
      %add3A_298 = arith.constant 5 : i32
      %add3A_299 = arith.addi %add3A_285, %add3A_298 : i32
      %lt3A_300 = arith.constant 100 : i32
      %lt3A_301 = arith.cmpi slt, %add3A_299, %lt3A_300 : i32
      %convert_element_type3A_302 = arith.extui %lt3A_301 : i1 to i32
      %cond3A_303 = arith.constant 0 : i32
      %cond3A_304 = arith.cmpi ne, %convert_element_type3A_302, %cond3A_303 : i32
      scf.if %cond3A_304 {
        %add3A_682 = arith.constant 5 : i32
        %add3A_683 = arith.addi %add3A_285, %add3A_682 : i32
        %mul3A_684 = arith.constant 64 : i32
        %mul3A_685 = arith.muli %add3A_683, %mul3A_684 : i32
        %dma_start3A_686 = arith.constant 7 : i32
        %dma_start3A_687 = arith.constant 0 : i32
        %dma_start3A_688 = arith.constant 0 : i32
        %dma_start3A_689 = tpu.memref_slice %arg6[%dma_start3A_686, %dma_start3A_687, %dma_start3A_688] : memref<10x64x128xf32, #tpu.memory_space<vmem>> -> memref<1x64x128xf32, #tpu.memory_space<vmem>>
        %dma_start3A_690 = tpu.memref_squeeze %dma_start3A_689 : memref<1x64x128xf32, #tpu.memory_space<vmem>> -> memref<64x128xf32, #tpu.memory_space<vmem>>
        %dma_start3A_691 = tpu.memref_slice %arg5[%mul3A_685] : memref<6400xi32, #tpu.memory_space<vmem>> -> memref<64xi32, #tpu.memory_space<vmem>>
        %dma_start3A_692 = arith.constant 0 : i32
        %dma_start3A_693 = arith.constant 0 : i32
        %dma_start3A_694 = tpu.memref_slice %arg2[%dma_start3A_692, %dma_start3A_693] : memref<100000x128xf32, #tpu.memory_space<hbm>> -> memref<100000x128xf32, #tpu.memory_space<hbm>>
        tpu.enqueue_indirect_dma source(%dma_start3A_694 : memref<100000x128xf32, #tpu.memory_space<hbm>>) target(%dma_start3A_690 : memref<64x128xf32, #tpu.memory_space<vmem>>) offsets(%dma_start3A_691 : memref<64xi32, #tpu.memory_space<vmem>>) semaphore(%arg14 : memref<!tpu.dma_semaphore, #tpu.memory_space<semaphore_mem>>)
      } else {
      }
      %mul3A_305 = arith.constant 64 : i32
      %mul3A_306 = arith.muli %add3A_285, %mul3A_305 : i32
      %dma_wait3A_307 = arith.constant 2 : i32
      %dma_wait3A_308 = arith.constant 0 : i32
      %dma_wait3A_309 = arith.constant 0 : i32
      %dma_wait3A_310 = tpu.memref_slice %arg6[%dma_wait3A_307, %dma_wait3A_308, %dma_wait3A_309] : memref<10x64x128xf32, #tpu.memory_space<vmem>> -> memref<1x64x128xf32, #tpu.memory_space<vmem>>
      %dma_wait3A_311 = tpu.memref_squeeze %dma_wait3A_310 : memref<1x64x128xf32, #tpu.memory_space<vmem>> -> memref<64x128xf32, #tpu.memory_space<vmem>>
      %dma_wait3A_312 = tpu.memref_slice %arg5[%mul3A_306] : memref<6400xi32, #tpu.memory_space<vmem>> -> memref<64xi32, #tpu.memory_space<vmem>>
      %dma_wait3A_313 = arith.constant 0 : i32
      %dma_wait3A_314 = arith.constant 0 : i32
      %dma_wait3A_315 = tpu.memref_slice %arg2[%dma_wait3A_313, %dma_wait3A_314] : memref<100000x128xf32, #tpu.memory_space<hbm>> -> memref<100000x128xf32, #tpu.memory_space<hbm>>
      tpu.wait_indirect_dma semaphore(%arg9 : memref<!tpu.dma_semaphore, #tpu.memory_space<semaphore_mem>>) src(%dma_wait3A_315 : memref<100000x128xf32, #tpu.memory_space<hbm>>) dst(%dma_wait3A_311 : memref<64x128xf32, #tpu.memory_space<vmem>>)
      %mul3A_316 = arith.constant 64 : i32
      %mul3A_317 = arith.muli %add3A_285, %mul3A_316 : i32
      %add3A_318 = arith.addi %mul3A_2, %mul3A_317 : i32
      %dma_start3A_319 = arith.constant 2 : i32
      %dma_start3A_320 = arith.constant 0 : i32
      %dma_start3A_321 = arith.constant 0 : i32
      %dma_start3A_322 = tpu.memref_slice %arg6[%dma_start3A_319, %dma_start3A_320, %dma_start3A_321] : memref<10x64x128xf32, #tpu.memory_space<vmem>> -> memref<1x64x128xf32, #tpu.memory_space<vmem>>
      %dma_start3A_323 = tpu.memref_squeeze %dma_start3A_322 : memref<1x64x128xf32, #tpu.memory_space<vmem>> -> memref<64x128xf32, #tpu.memory_space<vmem>>
      %dma_start3A_324 = arith.constant 0 : i32
      %dma_start3A_325 = tpu.memref_slice %arg4[%add3A_318, %dma_start3A_324] : memref<204800x128xf32, #tpu.memory_space<hbm>> -> memref<64x128xf32, #tpu.memory_space<hbm>>
      %dma_start3A_326 = arith.constant 0 : i32
      %dma_start3A_327 = tpu.memref_slice %arg4[%add3A_318, %dma_start3A_326] : memref<204800x128xf32, #tpu.memory_space<hbm>> -> memref<64x128xf32, #tpu.memory_space<hbm>>
      %dma_start3A_328 = arith.constant 0 : i32
      %dma_start3A_329 = arith.constant 0 : i32
      %dma_start3A_330 = tpu.memref_slice %arg6[%dma_start3A_319, %dma_start3A_328, %dma_start3A_329] : memref<10x64x128xf32, #tpu.memory_space<vmem>> -> memref<1x64x128xf32, #tpu.memory_space<vmem>>
      %dma_start3A_331 = tpu.memref_squeeze %dma_start3A_330 : memref<1x64x128xf32, #tpu.memory_space<vmem>> -> memref<64x128xf32, #tpu.memory_space<vmem>>
      tpu.enqueue_dma source(%dma_start3A_331 : memref<64x128xf32, #tpu.memory_space<vmem>>) target(%dma_start3A_327 : memref<64x128xf32, #tpu.memory_space<hbm>>) target_semaphore(%arg19 : memref<!tpu.dma_semaphore, #tpu.memory_space<semaphore_mem>>)
      %mul3A_332 = arith.constant 10 : i32
      %mul3A_333 = arith.muli %scan3A_186, %mul3A_332 : i32
      %add3A_334 = arith.constant 3 : i32
      %add3A_335 = arith.addi %mul3A_333, %add3A_334 : i32
      %add3A_336 = arith.constant 5 : i32
      %add3A_337 = arith.addi %add3A_335, %add3A_336 : i32
      %lt3A_338 = arith.constant 100 : i32
      %lt3A_339 = arith.cmpi slt, %add3A_337, %lt3A_338 : i32
      %add3A_340 = arith.constant 5 : i32
      %add3A_341 = arith.addi %add3A_335, %add3A_340 : i32
      %ge3A_342 = arith.constant 10 : i32
      %ge3A_343 = arith.cmpi sge, %add3A_341, %ge3A_342 : i32
      %and3A_344 = arith.andi %lt3A_339, %ge3A_343 : i1
      %convert_element_type3A_345 = arith.extui %and3A_344 : i1 to i32
      %cond3A_346 = arith.constant 0 : i32
      %cond3A_347 = arith.cmpi ne, %convert_element_type3A_345, %cond3A_346 : i32
      scf.if %cond3A_347 {
        %dma_wait3A_682 = arith.constant 8 : i32
        %dma_wait3A_683 = arith.constant 0 : i32
        %dma_wait3A_684 = arith.constant 0 : i32
        %dma_wait3A_685 = tpu.memref_slice %arg6[%dma_wait3A_682, %dma_wait3A_683, %dma_wait3A_684] : memref<10x64x128xf32, #tpu.memory_space<vmem>> -> memref<1x64x128xf32, #tpu.memory_space<vmem>>
        %dma_wait3A_686 = tpu.memref_squeeze %dma_wait3A_685 : memref<1x64x128xf32, #tpu.memory_space<vmem>> -> memref<64x128xf32, #tpu.memory_space<vmem>>
        %dma_wait3A_687 = arith.constant 0 : i32
        %dma_wait3A_688 = tpu.memref_slice %arg4[%mul3A_2, %dma_wait3A_687] : memref<204800x128xf32, #tpu.memory_space<hbm>> -> memref<64x128xf32, #tpu.memory_space<hbm>>
        %dma_wait3A_689 = arith.constant 0 : i32
        %dma_wait3A_690 = tpu.memref_slice %arg4[%mul3A_2, %dma_wait3A_689] : memref<204800x128xf32, #tpu.memory_space<hbm>> -> memref<64x128xf32, #tpu.memory_space<hbm>>
        %dma_wait3A_691 = arith.constant 0 : i32
        %dma_wait3A_692 = arith.constant 0 : i32
        %dma_wait3A_693 = tpu.memref_slice %arg6[%dma_wait3A_682, %dma_wait3A_691, %dma_wait3A_692] : memref<10x64x128xf32, #tpu.memory_space<vmem>> -> memref<1x64x128xf32, #tpu.memory_space<vmem>>
        %dma_wait3A_694 = tpu.memref_squeeze %dma_wait3A_693 : memref<1x64x128xf32, #tpu.memory_space<vmem>> -> memref<64x128xf32, #tpu.memory_space<vmem>>
        tpu.wait_dma2 semaphore(%arg25 : memref<!tpu.dma_semaphore, #tpu.memory_space<semaphore_mem>>) src(%dma_wait3A_694 : memref<64x128xf32, #tpu.memory_space<vmem>>) dst(%dma_wait3A_690 : memref<64x128xf32, #tpu.memory_space<hbm>>)
      } else {
      }
      %add3A_348 = arith.constant 5 : i32
      %add3A_349 = arith.addi %add3A_335, %add3A_348 : i32
      %lt3A_350 = arith.constant 100 : i32
      %lt3A_351 = arith.cmpi slt, %add3A_349, %lt3A_350 : i32
      %convert_element_type3A_352 = arith.extui %lt3A_351 : i1 to i32
      %cond3A_353 = arith.constant 0 : i32
      %cond3A_354 = arith.cmpi ne, %convert_element_type3A_352, %cond3A_353 : i32
      scf.if %cond3A_354 {
        %add3A_682 = arith.constant 5 : i32
        %add3A_683 = arith.addi %add3A_335, %add3A_682 : i32
        %mul3A_684 = arith.constant 64 : i32
        %mul3A_685 = arith.muli %add3A_683, %mul3A_684 : i32
        %dma_start3A_686 = arith.constant 8 : i32
        %dma_start3A_687 = arith.constant 0 : i32
        %dma_start3A_688 = arith.constant 0 : i32
        %dma_start3A_689 = tpu.memref_slice %arg6[%dma_start3A_686, %dma_start3A_687, %dma_start3A_688] : memref<10x64x128xf32, #tpu.memory_space<vmem>> -> memref<1x64x128xf32, #tpu.memory_space<vmem>>
        %dma_start3A_690 = tpu.memref_squeeze %dma_start3A_689 : memref<1x64x128xf32, #tpu.memory_space<vmem>> -> memref<64x128xf32, #tpu.memory_space<vmem>>
        %dma_start3A_691 = tpu.memref_slice %arg5[%mul3A_685] : memref<6400xi32, #tpu.memory_space<vmem>> -> memref<64xi32, #tpu.memory_space<vmem>>
        %dma_start3A_692 = arith.constant 0 : i32
        %dma_start3A_693 = arith.constant 0 : i32
        %dma_start3A_694 = tpu.memref_slice %arg2[%dma_start3A_692, %dma_start3A_693] : memref<100000x128xf32, #tpu.memory_space<hbm>> -> memref<100000x128xf32, #tpu.memory_space<hbm>>
        tpu.enqueue_indirect_dma source(%dma_start3A_694 : memref<100000x128xf32, #tpu.memory_space<hbm>>) target(%dma_start3A_690 : memref<64x128xf32, #tpu.memory_space<vmem>>) offsets(%dma_start3A_691 : memref<64xi32, #tpu.memory_space<vmem>>) semaphore(%arg15 : memref<!tpu.dma_semaphore, #tpu.memory_space<semaphore_mem>>)
      } else {
      }
      %mul3A_355 = arith.constant 64 : i32
      %mul3A_356 = arith.muli %add3A_335, %mul3A_355 : i32
      %dma_wait3A_357 = arith.constant 3 : i32
      %dma_wait3A_358 = arith.constant 0 : i32
      %dma_wait3A_359 = arith.constant 0 : i32
      %dma_wait3A_360 = tpu.memref_slice %arg6[%dma_wait3A_357, %dma_wait3A_358, %dma_wait3A_359] : memref<10x64x128xf32, #tpu.memory_space<vmem>> -> memref<1x64x128xf32, #tpu.memory_space<vmem>>
      %dma_wait3A_361 = tpu.memref_squeeze %dma_wait3A_360 : memref<1x64x128xf32, #tpu.memory_space<vmem>> -> memref<64x128xf32, #tpu.memory_space<vmem>>
      %dma_wait3A_362 = tpu.memref_slice %arg5[%mul3A_356] : memref<6400xi32, #tpu.memory_space<vmem>> -> memref<64xi32, #tpu.memory_space<vmem>>
      %dma_wait3A_363 = arith.constant 0 : i32
      %dma_wait3A_364 = arith.constant 0 : i32
      %dma_wait3A_365 = tpu.memref_slice %arg2[%dma_wait3A_363, %dma_wait3A_364] : memref<100000x128xf32, #tpu.memory_space<hbm>> -> memref<100000x128xf32, #tpu.memory_space<hbm>>
      tpu.wait_indirect_dma semaphore(%arg10 : memref<!tpu.dma_semaphore, #tpu.memory_space<semaphore_mem>>) src(%dma_wait3A_365 : memref<100000x128xf32, #tpu.memory_space<hbm>>) dst(%dma_wait3A_361 : memref<64x128xf32, #tpu.memory_space<vmem>>)
      %mul3A_366 = arith.constant 64 : i32
      %mul3A_367 = arith.muli %add3A_335, %mul3A_366 : i32
      %add3A_368 = arith.addi %mul3A_2, %mul3A_367 : i32
      %dma_start3A_369 = arith.constant 3 : i32
      %dma_start3A_370 = arith.constant 0 : i32
      %dma_start3A_371 = arith.constant 0 : i32
      %dma_start3A_372 = tpu.memref_slice %arg6[%dma_start3A_369, %dma_start3A_370, %dma_start3A_371] : memref<10x64x128xf32, #tpu.memory_space<vmem>> -> memref<1x64x128xf32, #tpu.memory_space<vmem>>
      %dma_start3A_373 = tpu.memref_squeeze %dma_start3A_372 : memref<1x64x128xf32, #tpu.memory_space<vmem>> -> memref<64x128xf32, #tpu.memory_space<vmem>>
      %dma_start3A_374 = arith.constant 0 : i32
      %dma_start3A_375 = tpu.memref_slice %arg4[%add3A_368, %dma_start3A_374] : memref<204800x128xf32, #tpu.memory_space<hbm>> -> memref<64x128xf32, #tpu.memory_space<hbm>>
      %dma_start3A_376 = arith.constant 0 : i32
      %dma_start3A_377 = tpu.memref_slice %arg4[%add3A_368, %dma_start3A_376] : memref<204800x128xf32, #tpu.memory_space<hbm>> -> memref<64x128xf32, #tpu.memory_space<hbm>>
      %dma_start3A_378 = arith.constant 0 : i32
      %dma_start3A_379 = arith.constant 0 : i32
      %dma_start3A_380 = tpu.memref_slice %arg6[%dma_start3A_369, %dma_start3A_378, %dma_start3A_379] : memref<10x64x128xf32, #tpu.memory_space<vmem>> -> memref<1x64x128xf32, #tpu.memory_space<vmem>>
      %dma_start3A_381 = tpu.memref_squeeze %dma_start3A_380 : memref<1x64x128xf32, #tpu.memory_space<vmem>> -> memref<64x128xf32, #tpu.memory_space<vmem>>
      tpu.enqueue_dma source(%dma_start3A_381 : memref<64x128xf32, #tpu.memory_space<vmem>>) target(%dma_start3A_377 : memref<64x128xf32, #tpu.memory_space<hbm>>) target_semaphore(%arg20 : memref<!tpu.dma_semaphore, #tpu.memory_space<semaphore_mem>>)
      %mul3A_382 = arith.constant 10 : i32
      %mul3A_383 = arith.muli %scan3A_186, %mul3A_382 : i32
      %add3A_384 = arith.constant 4 : i32
      %add3A_385 = arith.addi %mul3A_383, %add3A_384 : i32
      %add3A_386 = arith.constant 5 : i32
      %add3A_387 = arith.addi %add3A_385, %add3A_386 : i32
      %lt3A_388 = arith.constant 100 : i32
      %lt3A_389 = arith.cmpi slt, %add3A_387, %lt3A_388 : i32
      %add3A_390 = arith.constant 5 : i32
      %add3A_391 = arith.addi %add3A_385, %add3A_390 : i32
      %ge3A_392 = arith.constant 10 : i32
      %ge3A_393 = arith.cmpi sge, %add3A_391, %ge3A_392 : i32
      %and3A_394 = arith.andi %lt3A_389, %ge3A_393 : i1
      %convert_element_type3A_395 = arith.extui %and3A_394 : i1 to i32
      %cond3A_396 = arith.constant 0 : i32
      %cond3A_397 = arith.cmpi ne, %convert_element_type3A_395, %cond3A_396 : i32
      scf.if %cond3A_397 {
        %dma_wait3A_682 = arith.constant 9 : i32
        %dma_wait3A_683 = arith.constant 0 : i32
        %dma_wait3A_684 = arith.constant 0 : i32
        %dma_wait3A_685 = tpu.memref_slice %arg6[%dma_wait3A_682, %dma_wait3A_683, %dma_wait3A_684] : memref<10x64x128xf32, #tpu.memory_space<vmem>> -> memref<1x64x128xf32, #tpu.memory_space<vmem>>
        %dma_wait3A_686 = tpu.memref_squeeze %dma_wait3A_685 : memref<1x64x128xf32, #tpu.memory_space<vmem>> -> memref<64x128xf32, #tpu.memory_space<vmem>>
        %dma_wait3A_687 = arith.constant 0 : i32
        %dma_wait3A_688 = tpu.memref_slice %arg4[%mul3A_2, %dma_wait3A_687] : memref<204800x128xf32, #tpu.memory_space<hbm>> -> memref<64x128xf32, #tpu.memory_space<hbm>>
        %dma_wait3A_689 = arith.constant 0 : i32
        %dma_wait3A_690 = tpu.memref_slice %arg4[%mul3A_2, %dma_wait3A_689] : memref<204800x128xf32, #tpu.memory_space<hbm>> -> memref<64x128xf32, #tpu.memory_space<hbm>>
        %dma_wait3A_691 = arith.constant 0 : i32
        %dma_wait3A_692 = arith.constant 0 : i32
        %dma_wait3A_693 = tpu.memref_slice %arg6[%dma_wait3A_682, %dma_wait3A_691, %dma_wait3A_692] : memref<10x64x128xf32, #tpu.memory_space<vmem>> -> memref<1x64x128xf32, #tpu.memory_space<vmem>>
        %dma_wait3A_694 = tpu.memref_squeeze %dma_wait3A_693 : memref<1x64x128xf32, #tpu.memory_space<vmem>> -> memref<64x128xf32, #tpu.memory_space<vmem>>
        tpu.wait_dma2 semaphore(%arg26 : memref<!tpu.dma_semaphore, #tpu.memory_space<semaphore_mem>>) src(%dma_wait3A_694 : memref<64x128xf32, #tpu.memory_space<vmem>>) dst(%dma_wait3A_690 : memref<64x128xf32, #tpu.memory_space<hbm>>)
      } else {
      }
      %add3A_398 = arith.constant 5 : i32
      %add3A_399 = arith.addi %add3A_385, %add3A_398 : i32
      %lt3A_400 = arith.constant 100 : i32
      %lt3A_401 = arith.cmpi slt, %add3A_399, %lt3A_400 : i32
      %convert_element_type3A_402 = arith.extui %lt3A_401 : i1 to i32
      %cond3A_403 = arith.constant 0 : i32
      %cond3A_404 = arith.cmpi ne, %convert_element_type3A_402, %cond3A_403 : i32
      scf.if %cond3A_404 {
        %add3A_682 = arith.constant 5 : i32
        %add3A_683 = arith.addi %add3A_385, %add3A_682 : i32
        %mul3A_684 = arith.constant 64 : i32
        %mul3A_685 = arith.muli %add3A_683, %mul3A_684 : i32
        %dma_start3A_686 = arith.constant 9 : i32
        %dma_start3A_687 = arith.constant 0 : i32
        %dma_start3A_688 = arith.constant 0 : i32
        %dma_start3A_689 = tpu.memref_slice %arg6[%dma_start3A_686, %dma_start3A_687, %dma_start3A_688] : memref<10x64x128xf32, #tpu.memory_space<vmem>> -> memref<1x64x128xf32, #tpu.memory_space<vmem>>
        %dma_start3A_690 = tpu.memref_squeeze %dma_start3A_689 : memref<1x64x128xf32, #tpu.memory_space<vmem>> -> memref<64x128xf32, #tpu.memory_space<vmem>>
        %dma_start3A_691 = tpu.memref_slice %arg5[%mul3A_685] : memref<6400xi32, #tpu.memory_space<vmem>> -> memref<64xi32, #tpu.memory_space<vmem>>
        %dma_start3A_692 = arith.constant 0 : i32
        %dma_start3A_693 = arith.constant 0 : i32
        %dma_start3A_694 = tpu.memref_slice %arg2[%dma_start3A_692, %dma_start3A_693] : memref<100000x128xf32, #tpu.memory_space<hbm>> -> memref<100000x128xf32, #tpu.memory_space<hbm>>
        tpu.enqueue_indirect_dma source(%dma_start3A_694 : memref<100000x128xf32, #tpu.memory_space<hbm>>) target(%dma_start3A_690 : memref<64x128xf32, #tpu.memory_space<vmem>>) offsets(%dma_start3A_691 : memref<64xi32, #tpu.memory_space<vmem>>) semaphore(%arg16 : memref<!tpu.dma_semaphore, #tpu.memory_space<semaphore_mem>>)
      } else {
      }
      %mul3A_405 = arith.constant 64 : i32
      %mul3A_406 = arith.muli %add3A_385, %mul3A_405 : i32
      %dma_wait3A_407 = arith.constant 4 : i32
      %dma_wait3A_408 = arith.constant 0 : i32
      %dma_wait3A_409 = arith.constant 0 : i32
      %dma_wait3A_410 = tpu.memref_slice %arg6[%dma_wait3A_407, %dma_wait3A_408, %dma_wait3A_409] : memref<10x64x128xf32, #tpu.memory_space<vmem>> -> memref<1x64x128xf32, #tpu.memory_space<vmem>>
      %dma_wait3A_411 = tpu.memref_squeeze %dma_wait3A_410 : memref<1x64x128xf32, #tpu.memory_space<vmem>> -> memref<64x128xf32, #tpu.memory_space<vmem>>
      %dma_wait3A_412 = tpu.memref_slice %arg5[%mul3A_406] : memref<6400xi32, #tpu.memory_space<vmem>> -> memref<64xi32, #tpu.memory_space<vmem>>
      %dma_wait3A_413 = arith.constant 0 : i32
      %dma_wait3A_414 = arith.constant 0 : i32
      %dma_wait3A_415 = tpu.memref_slice %arg2[%dma_wait3A_413, %dma_wait3A_414] : memref<100000x128xf32, #tpu.memory_space<hbm>> -> memref<100000x128xf32, #tpu.memory_space<hbm>>
      tpu.wait_indirect_dma semaphore(%arg11 : memref<!tpu.dma_semaphore, #tpu.memory_space<semaphore_mem>>) src(%dma_wait3A_415 : memref<100000x128xf32, #tpu.memory_space<hbm>>) dst(%dma_wait3A_411 : memref<64x128xf32, #tpu.memory_space<vmem>>)
      %mul3A_416 = arith.constant 64 : i32
      %mul3A_417 = arith.muli %add3A_385, %mul3A_416 : i32
      %add3A_418 = arith.addi %mul3A_2, %mul3A_417 : i32
      %dma_start3A_419 = arith.constant 4 : i32
      %dma_start3A_420 = arith.constant 0 : i32
      %dma_start3A_421 = arith.constant 0 : i32
      %dma_start3A_422 = tpu.memref_slice %arg6[%dma_start3A_419, %dma_start3A_420, %dma_start3A_421] : memref<10x64x128xf32, #tpu.memory_space<vmem>> -> memref<1x64x128xf32, #tpu.memory_space<vmem>>
      %dma_start3A_423 = tpu.memref_squeeze %dma_start3A_422 : memref<1x64x128xf32, #tpu.memory_space<vmem>> -> memref<64x128xf32, #tpu.memory_space<vmem>>
      %dma_start3A_424 = arith.constant 0 : i32
      %dma_start3A_425 = tpu.memref_slice %arg4[%add3A_418, %dma_start3A_424] : memref<204800x128xf32, #tpu.memory_space<hbm>> -> memref<64x128xf32, #tpu.memory_space<hbm>>
      %dma_start3A_426 = arith.constant 0 : i32
      %dma_start3A_427 = tpu.memref_slice %arg4[%add3A_418, %dma_start3A_426] : memref<204800x128xf32, #tpu.memory_space<hbm>> -> memref<64x128xf32, #tpu.memory_space<hbm>>
      %dma_start3A_428 = arith.constant 0 : i32
      %dma_start3A_429 = arith.constant 0 : i32
      %dma_start3A_430 = tpu.memref_slice %arg6[%dma_start3A_419, %dma_start3A_428, %dma_start3A_429] : memref<10x64x128xf32, #tpu.memory_space<vmem>> -> memref<1x64x128xf32, #tpu.memory_space<vmem>>
      %dma_start3A_431 = tpu.memref_squeeze %dma_start3A_430 : memref<1x64x128xf32, #tpu.memory_space<vmem>> -> memref<64x128xf32, #tpu.memory_space<vmem>>
      tpu.enqueue_dma source(%dma_start3A_431 : memref<64x128xf32, #tpu.memory_space<vmem>>) target(%dma_start3A_427 : memref<64x128xf32, #tpu.memory_space<hbm>>) target_semaphore(%arg21 : memref<!tpu.dma_semaphore, #tpu.memory_space<semaphore_mem>>)
      %mul3A_432 = arith.constant 10 : i32
      %mul3A_433 = arith.muli %scan3A_186, %mul3A_432 : i32
      %add3A_434 = arith.constant 5 : i32
      %add3A_435 = arith.addi %mul3A_433, %add3A_434 : i32
      %add3A_436 = arith.constant 5 : i32
      %add3A_437 = arith.addi %add3A_435, %add3A_436 : i32
      %lt3A_438 = arith.constant 100 : i32
      %lt3A_439 = arith.cmpi slt, %add3A_437, %lt3A_438 : i32
      %add3A_440 = arith.constant 5 : i32
      %add3A_441 = arith.addi %add3A_435, %add3A_440 : i32
      %ge3A_442 = arith.constant 10 : i32
      %ge3A_443 = arith.cmpi sge, %add3A_441, %ge3A_442 : i32
      %and3A_444 = arith.andi %lt3A_439, %ge3A_443 : i1
      %convert_element_type3A_445 = arith.extui %and3A_444 : i1 to i32
      %cond3A_446 = arith.constant 0 : i32
      %cond3A_447 = arith.cmpi ne, %convert_element_type3A_445, %cond3A_446 : i32
      scf.if %cond3A_447 {
        %dma_wait3A_682 = arith.constant 0 : i32
        %dma_wait3A_683 = arith.constant 0 : i32
        %dma_wait3A_684 = arith.constant 0 : i32
        %dma_wait3A_685 = tpu.memref_slice %arg6[%dma_wait3A_682, %dma_wait3A_683, %dma_wait3A_684] : memref<10x64x128xf32, #tpu.memory_space<vmem>> -> memref<1x64x128xf32, #tpu.memory_space<vmem>>
        %dma_wait3A_686 = tpu.memref_squeeze %dma_wait3A_685 : memref<1x64x128xf32, #tpu.memory_space<vmem>> -> memref<64x128xf32, #tpu.memory_space<vmem>>
        %dma_wait3A_687 = arith.constant 0 : i32
        %dma_wait3A_688 = tpu.memref_slice %arg4[%mul3A_2, %dma_wait3A_687] : memref<204800x128xf32, #tpu.memory_space<hbm>> -> memref<64x128xf32, #tpu.memory_space<hbm>>
        %dma_wait3A_689 = arith.constant 0 : i32
        %dma_wait3A_690 = tpu.memref_slice %arg4[%mul3A_2, %dma_wait3A_689] : memref<204800x128xf32, #tpu.memory_space<hbm>> -> memref<64x128xf32, #tpu.memory_space<hbm>>
        %dma_wait3A_691 = arith.constant 0 : i32
        %dma_wait3A_692 = arith.constant 0 : i32
        %dma_wait3A_693 = tpu.memref_slice %arg6[%dma_wait3A_682, %dma_wait3A_691, %dma_wait3A_692] : memref<10x64x128xf32, #tpu.memory_space<vmem>> -> memref<1x64x128xf32, #tpu.memory_space<vmem>>
        %dma_wait3A_694 = tpu.memref_squeeze %dma_wait3A_693 : memref<1x64x128xf32, #tpu.memory_space<vmem>> -> memref<64x128xf32, #tpu.memory_space<vmem>>
        tpu.wait_dma2 semaphore(%arg17 : memref<!tpu.dma_semaphore, #tpu.memory_space<semaphore_mem>>) src(%dma_wait3A_694 : memref<64x128xf32, #tpu.memory_space<vmem>>) dst(%dma_wait3A_690 : memref<64x128xf32, #tpu.memory_space<hbm>>)
      } else {
      }
      %add3A_448 = arith.constant 5 : i32
      %add3A_449 = arith.addi %add3A_435, %add3A_448 : i32
      %lt3A_450 = arith.constant 100 : i32
      %lt3A_451 = arith.cmpi slt, %add3A_449, %lt3A_450 : i32
      %convert_element_type3A_452 = arith.extui %lt3A_451 : i1 to i32
      %cond3A_453 = arith.constant 0 : i32
      %cond3A_454 = arith.cmpi ne, %convert_element_type3A_452, %cond3A_453 : i32
      scf.if %cond3A_454 {
        %add3A_682 = arith.constant 5 : i32
        %add3A_683 = arith.addi %add3A_435, %add3A_682 : i32
        %mul3A_684 = arith.constant 64 : i32
        %mul3A_685 = arith.muli %add3A_683, %mul3A_684 : i32
        %dma_start3A_686 = arith.constant 0 : i32
        %dma_start3A_687 = arith.constant 0 : i32
        %dma_start3A_688 = arith.constant 0 : i32
        %dma_start3A_689 = tpu.memref_slice %arg6[%dma_start3A_686, %dma_start3A_687, %dma_start3A_688] : memref<10x64x128xf32, #tpu.memory_space<vmem>> -> memref<1x64x128xf32, #tpu.memory_space<vmem>>
        %dma_start3A_690 = tpu.memref_squeeze %dma_start3A_689 : memref<1x64x128xf32, #tpu.memory_space<vmem>> -> memref<64x128xf32, #tpu.memory_space<vmem>>
        %dma_start3A_691 = tpu.memref_slice %arg5[%mul3A_685] : memref<6400xi32, #tpu.memory_space<vmem>> -> memref<64xi32, #tpu.memory_space<vmem>>
        %dma_start3A_692 = arith.constant 0 : i32
        %dma_start3A_693 = arith.constant 0 : i32
        %dma_start3A_694 = tpu.memref_slice %arg2[%dma_start3A_692, %dma_start3A_693] : memref<100000x128xf32, #tpu.memory_space<hbm>> -> memref<100000x128xf32, #tpu.memory_space<hbm>>
        tpu.enqueue_indirect_dma source(%dma_start3A_694 : memref<100000x128xf32, #tpu.memory_space<hbm>>) target(%dma_start3A_690 : memref<64x128xf32, #tpu.memory_space<vmem>>) offsets(%dma_start3A_691 : memref<64xi32, #tpu.memory_space<vmem>>) semaphore(%arg7 : memref<!tpu.dma_semaphore, #tpu.memory_space<semaphore_mem>>)
      } else {
      }
      %mul3A_455 = arith.constant 64 : i32
      %mul3A_456 = arith.muli %add3A_435, %mul3A_455 : i32
      %dma_wait3A_457 = arith.constant 5 : i32
      %dma_wait3A_458 = arith.constant 0 : i32
      %dma_wait3A_459 = arith.constant 0 : i32
      %dma_wait3A_460 = tpu.memref_slice %arg6[%dma_wait3A_457, %dma_wait3A_458, %dma_wait3A_459] : memref<10x64x128xf32, #tpu.memory_space<vmem>> -> memref<1x64x128xf32, #tpu.memory_space<vmem>>
      %dma_wait3A_461 = tpu.memref_squeeze %dma_wait3A_460 : memref<1x64x128xf32, #tpu.memory_space<vmem>> -> memref<64x128xf32, #tpu.memory_space<vmem>>
      %dma_wait3A_462 = tpu.memref_slice %arg5[%mul3A_456] : memref<6400xi32, #tpu.memory_space<vmem>> -> memref<64xi32, #tpu.memory_space<vmem>>
      %dma_wait3A_463 = arith.constant 0 : i32
      %dma_wait3A_464 = arith.constant 0 : i32
      %dma_wait3A_465 = tpu.memref_slice %arg2[%dma_wait3A_463, %dma_wait3A_464] : memref<100000x128xf32, #tpu.memory_space<hbm>> -> memref<100000x128xf32, #tpu.memory_space<hbm>>
      tpu.wait_indirect_dma semaphore(%arg12 : memref<!tpu.dma_semaphore, #tpu.memory_space<semaphore_mem>>) src(%dma_wait3A_465 : memref<100000x128xf32, #tpu.memory_space<hbm>>) dst(%dma_wait3A_461 : memref<64x128xf32, #tpu.memory_space<vmem>>)
      %mul3A_466 = arith.constant 64 : i32
      %mul3A_467 = arith.muli %add3A_435, %mul3A_466 : i32
      %add3A_468 = arith.addi %mul3A_2, %mul3A_467 : i32
      %dma_start3A_469 = arith.constant 5 : i32
      %dma_start3A_470 = arith.constant 0 : i32
      %dma_start3A_471 = arith.constant 0 : i32
      %dma_start3A_472 = tpu.memref_slice %arg6[%dma_start3A_469, %dma_start3A_470, %dma_start3A_471] : memref<10x64x128xf32, #tpu.memory_space<vmem>> -> memref<1x64x128xf32, #tpu.memory_space<vmem>>
      %dma_start3A_473 = tpu.memref_squeeze %dma_start3A_472 : memref<1x64x128xf32, #tpu.memory_space<vmem>> -> memref<64x128xf32, #tpu.memory_space<vmem>>
      %dma_start3A_474 = arith.constant 0 : i32
      %dma_start3A_475 = tpu.memref_slice %arg4[%add3A_468, %dma_start3A_474] : memref<204800x128xf32, #tpu.memory_space<hbm>> -> memref<64x128xf32, #tpu.memory_space<hbm>>
      %dma_start3A_476 = arith.constant 0 : i32
      %dma_start3A_477 = tpu.memref_slice %arg4[%add3A_468, %dma_start3A_476] : memref<204800x128xf32, #tpu.memory_space<hbm>> -> memref<64x128xf32, #tpu.memory_space<hbm>>
      %dma_start3A_478 = arith.constant 0 : i32
      %dma_start3A_479 = arith.constant 0 : i32
      %dma_start3A_480 = tpu.memref_slice %arg6[%dma_start3A_469, %dma_start3A_478, %dma_start3A_479] : memref<10x64x128xf32, #tpu.memory_space<vmem>> -> memref<1x64x128xf32, #tpu.memory_space<vmem>>
      %dma_start3A_481 = tpu.memref_squeeze %dma_start3A_480 : memref<1x64x128xf32, #tpu.memory_space<vmem>> -> memref<64x128xf32, #tpu.memory_space<vmem>>
      tpu.enqueue_dma source(%dma_start3A_481 : memref<64x128xf32, #tpu.memory_space<vmem>>) target(%dma_start3A_477 : memref<64x128xf32, #tpu.memory_space<hbm>>) target_semaphore(%arg22 : memref<!tpu.dma_semaphore, #tpu.memory_space<semaphore_mem>>)
      %mul3A_482 = arith.constant 10 : i32
      %mul3A_483 = arith.muli %scan3A_186, %mul3A_482 : i32
      %add3A_484 = arith.constant 6 : i32
      %add3A_485 = arith.addi %mul3A_483, %add3A_484 : i32
      %add3A_486 = arith.constant 5 : i32
      %add3A_487 = arith.addi %add3A_485, %add3A_486 : i32
      %lt3A_488 = arith.constant 100 : i32
      %lt3A_489 = arith.cmpi slt, %add3A_487, %lt3A_488 : i32
      %add3A_490 = arith.constant 5 : i32
      %add3A_491 = arith.addi %add3A_485, %add3A_490 : i32
      %ge3A_492 = arith.constant 10 : i32
      %ge3A_493 = arith.cmpi sge, %add3A_491, %ge3A_492 : i32
      %and3A_494 = arith.andi %lt3A_489, %ge3A_493 : i1
      %convert_element_type3A_495 = arith.extui %and3A_494 : i1 to i32
      %cond3A_496 = arith.constant 0 : i32
      %cond3A_497 = arith.cmpi ne, %convert_element_type3A_495, %cond3A_496 : i32
      scf.if %cond3A_497 {
        %dma_wait3A_682 = arith.constant 1 : i32
        %dma_wait3A_683 = arith.constant 0 : i32
        %dma_wait3A_684 = arith.constant 0 : i32
        %dma_wait3A_685 = tpu.memref_slice %arg6[%dma_wait3A_682, %dma_wait3A_683, %dma_wait3A_684] : memref<10x64x128xf32, #tpu.memory_space<vmem>> -> memref<1x64x128xf32, #tpu.memory_space<vmem>>
        %dma_wait3A_686 = tpu.memref_squeeze %dma_wait3A_685 : memref<1x64x128xf32, #tpu.memory_space<vmem>> -> memref<64x128xf32, #tpu.memory_space<vmem>>
        %dma_wait3A_687 = arith.constant 0 : i32
        %dma_wait3A_688 = tpu.memref_slice %arg4[%mul3A_2, %dma_wait3A_687] : memref<204800x128xf32, #tpu.memory_space<hbm>> -> memref<64x128xf32, #tpu.memory_space<hbm>>
        %dma_wait3A_689 = arith.constant 0 : i32
        %dma_wait3A_690 = tpu.memref_slice %arg4[%mul3A_2, %dma_wait3A_689] : memref<204800x128xf32, #tpu.memory_space<hbm>> -> memref<64x128xf32, #tpu.memory_space<hbm>>
        %dma_wait3A_691 = arith.constant 0 : i32
        %dma_wait3A_692 = arith.constant 0 : i32
        %dma_wait3A_693 = tpu.memref_slice %arg6[%dma_wait3A_682, %dma_wait3A_691, %dma_wait3A_692] : memref<10x64x128xf32, #tpu.memory_space<vmem>> -> memref<1x64x128xf32, #tpu.memory_space<vmem>>
        %dma_wait3A_694 = tpu.memref_squeeze %dma_wait3A_693 : memref<1x64x128xf32, #tpu.memory_space<vmem>> -> memref<64x128xf32, #tpu.memory_space<vmem>>
        tpu.wait_dma2 semaphore(%arg18 : memref<!tpu.dma_semaphore, #tpu.memory_space<semaphore_mem>>) src(%dma_wait3A_694 : memref<64x128xf32, #tpu.memory_space<vmem>>) dst(%dma_wait3A_690 : memref<64x128xf32, #tpu.memory_space<hbm>>)
      } else {
      }
      %add3A_498 = arith.constant 5 : i32
      %add3A_499 = arith.addi %add3A_485, %add3A_498 : i32
      %lt3A_500 = arith.constant 100 : i32
      %lt3A_501 = arith.cmpi slt, %add3A_499, %lt3A_500 : i32
      %convert_element_type3A_502 = arith.extui %lt3A_501 : i1 to i32
      %cond3A_503 = arith.constant 0 : i32
      %cond3A_504 = arith.cmpi ne, %convert_element_type3A_502, %cond3A_503 : i32
      scf.if %cond3A_504 {
        %add3A_682 = arith.constant 5 : i32
        %add3A_683 = arith.addi %add3A_485, %add3A_682 : i32
        %mul3A_684 = arith.constant 64 : i32
        %mul3A_685 = arith.muli %add3A_683, %mul3A_684 : i32
        %dma_start3A_686 = arith.constant 1 : i32
        %dma_start3A_687 = arith.constant 0 : i32
        %dma_start3A_688 = arith.constant 0 : i32
        %dma_start3A_689 = tpu.memref_slice %arg6[%dma_start3A_686, %dma_start3A_687, %dma_start3A_688] : memref<10x64x128xf32, #tpu.memory_space<vmem>> -> memref<1x64x128xf32, #tpu.memory_space<vmem>>
        %dma_start3A_690 = tpu.memref_squeeze %dma_start3A_689 : memref<1x64x128xf32, #tpu.memory_space<vmem>> -> memref<64x128xf32, #tpu.memory_space<vmem>>
        %dma_start3A_691 = tpu.memref_slice %arg5[%mul3A_685] : memref<6400xi32, #tpu.memory_space<vmem>> -> memref<64xi32, #tpu.memory_space<vmem>>
        %dma_start3A_692 = arith.constant 0 : i32
        %dma_start3A_693 = arith.constant 0 : i32
        %dma_start3A_694 = tpu.memref_slice %arg2[%dma_start3A_692, %dma_start3A_693] : memref<100000x128xf32, #tpu.memory_space<hbm>> -> memref<100000x128xf32, #tpu.memory_space<hbm>>
        tpu.enqueue_indirect_dma source(%dma_start3A_694 : memref<100000x128xf32, #tpu.memory_space<hbm>>) target(%dma_start3A_690 : memref<64x128xf32, #tpu.memory_space<vmem>>) offsets(%dma_start3A_691 : memref<64xi32, #tpu.memory_space<vmem>>) semaphore(%arg8 : memref<!tpu.dma_semaphore, #tpu.memory_space<semaphore_mem>>)
      } else {
      }
      %mul3A_505 = arith.constant 64 : i32
      %mul3A_506 = arith.muli %add3A_485, %mul3A_505 : i32
      %dma_wait3A_507 = arith.constant 6 : i32
      %dma_wait3A_508 = arith.constant 0 : i32
      %dma_wait3A_509 = arith.constant 0 : i32
      %dma_wait3A_510 = tpu.memref_slice %arg6[%dma_wait3A_507, %dma_wait3A_508, %dma_wait3A_509] : memref<10x64x128xf32, #tpu.memory_space<vmem>> -> memref<1x64x128xf32, #tpu.memory_space<vmem>>
      %dma_wait3A_511 = tpu.memref_squeeze %dma_wait3A_510 : memref<1x64x128xf32, #tpu.memory_space<vmem>> -> memref<64x128xf32, #tpu.memory_space<vmem>>
      %dma_wait3A_512 = tpu.memref_slice %arg5[%mul3A_506] : memref<6400xi32, #tpu.memory_space<vmem>> -> memref<64xi32, #tpu.memory_space<vmem>>
      %dma_wait3A_513 = arith.constant 0 : i32
      %dma_wait3A_514 = arith.constant 0 : i32
      %dma_wait3A_515 = tpu.memref_slice %arg2[%dma_wait3A_513, %dma_wait3A_514] : memref<100000x128xf32, #tpu.memory_space<hbm>> -> memref<100000x128xf32, #tpu.memory_space<hbm>>
      tpu.wait_indirect_dma semaphore(%arg13 : memref<!tpu.dma_semaphore, #tpu.memory_space<semaphore_mem>>) src(%dma_wait3A_515 : memref<100000x128xf32, #tpu.memory_space<hbm>>) dst(%dma_wait3A_511 : memref<64x128xf32, #tpu.memory_space<vmem>>)
      %mul3A_516 = arith.constant 64 : i32
      %mul3A_517 = arith.muli %add3A_485, %mul3A_516 : i32
      %add3A_518 = arith.addi %mul3A_2, %mul3A_517 : i32
      %dma_start3A_519 = arith.constant 6 : i32
      %dma_start3A_520 = arith.constant 0 : i32
      %dma_start3A_521 = arith.constant 0 : i32
      %dma_start3A_522 = tpu.memref_slice %arg6[%dma_start3A_519, %dma_start3A_520, %dma_start3A_521] : memref<10x64x128xf32, #tpu.memory_space<vmem>> -> memref<1x64x128xf32, #tpu.memory_space<vmem>>
      %dma_start3A_523 = tpu.memref_squeeze %dma_start3A_522 : memref<1x64x128xf32, #tpu.memory_space<vmem>> -> memref<64x128xf32, #tpu.memory_space<vmem>>
      %dma_start3A_524 = arith.constant 0 : i32
      %dma_start3A_525 = tpu.memref_slice %arg4[%add3A_518, %dma_start3A_524] : memref<204800x128xf32, #tpu.memory_space<hbm>> -> memref<64x128xf32, #tpu.memory_space<hbm>>
      %dma_start3A_526 = arith.constant 0 : i32
      %dma_start3A_527 = tpu.memref_slice %arg4[%add3A_518, %dma_start3A_526] : memref<204800x128xf32, #tpu.memory_space<hbm>> -> memref<64x128xf32, #tpu.memory_space<hbm>>
      %dma_start3A_528 = arith.constant 0 : i32
      %dma_start3A_529 = arith.constant 0 : i32
      %dma_start3A_530 = tpu.memref_slice %arg6[%dma_start3A_519, %dma_start3A_528, %dma_start3A_529] : memref<10x64x128xf32, #tpu.memory_space<vmem>> -> memref<1x64x128xf32, #tpu.memory_space<vmem>>
      %dma_start3A_531 = tpu.memref_squeeze %dma_start3A_530 : memref<1x64x128xf32, #tpu.memory_space<vmem>> -> memref<64x128xf32, #tpu.memory_space<vmem>>
      tpu.enqueue_dma source(%dma_start3A_531 : memref<64x128xf32, #tpu.memory_space<vmem>>) target(%dma_start3A_527 : memref<64x128xf32, #tpu.memory_space<hbm>>) target_semaphore(%arg23 : memref<!tpu.dma_semaphore, #tpu.memory_space<semaphore_mem>>)
      %mul3A_532 = arith.constant 10 : i32
      %mul3A_533 = arith.muli %scan3A_186, %mul3A_532 : i32
      %add3A_534 = arith.constant 7 : i32
      %add3A_535 = arith.addi %mul3A_533, %add3A_534 : i32
      %add3A_536 = arith.constant 5 : i32
      %add3A_537 = arith.addi %add3A_535, %add3A_536 : i32
      %lt3A_538 = arith.constant 100 : i32
      %lt3A_539 = arith.cmpi slt, %add3A_537, %lt3A_538 : i32
      %add3A_540 = arith.constant 5 : i32
      %add3A_541 = arith.addi %add3A_535, %add3A_540 : i32
      %ge3A_542 = arith.constant 10 : i32
      %ge3A_543 = arith.cmpi sge, %add3A_541, %ge3A_542 : i32
      %and3A_544 = arith.andi %lt3A_539, %ge3A_543 : i1
      %convert_element_type3A_545 = arith.extui %and3A_544 : i1 to i32
      %cond3A_546 = arith.constant 0 : i32
      %cond3A_547 = arith.cmpi ne, %convert_element_type3A_545, %cond3A_546 : i32
      scf.if %cond3A_547 {
        %dma_wait3A_682 = arith.constant 2 : i32
        %dma_wait3A_683 = arith.constant 0 : i32
        %dma_wait3A_684 = arith.constant 0 : i32
        %dma_wait3A_685 = tpu.memref_slice %arg6[%dma_wait3A_682, %dma_wait3A_683, %dma_wait3A_684] : memref<10x64x128xf32, #tpu.memory_space<vmem>> -> memref<1x64x128xf32, #tpu.memory_space<vmem>>
        %dma_wait3A_686 = tpu.memref_squeeze %dma_wait3A_685 : memref<1x64x128xf32, #tpu.memory_space<vmem>> -> memref<64x128xf32, #tpu.memory_space<vmem>>
        %dma_wait3A_687 = arith.constant 0 : i32
        %dma_wait3A_688 = tpu.memref_slice %arg4[%mul3A_2, %dma_wait3A_687] : memref<204800x128xf32, #tpu.memory_space<hbm>> -> memref<64x128xf32, #tpu.memory_space<hbm>>
        %dma_wait3A_689 = arith.constant 0 : i32
        %dma_wait3A_690 = tpu.memref_slice %arg4[%mul3A_2, %dma_wait3A_689] : memref<204800x128xf32, #tpu.memory_space<hbm>> -> memref<64x128xf32, #tpu.memory_space<hbm>>
        %dma_wait3A_691 = arith.constant 0 : i32
        %dma_wait3A_692 = arith.constant 0 : i32
        %dma_wait3A_693 = tpu.memref_slice %arg6[%dma_wait3A_682, %dma_wait3A_691, %dma_wait3A_692] : memref<10x64x128xf32, #tpu.memory_space<vmem>> -> memref<1x64x128xf32, #tpu.memory_space<vmem>>
        %dma_wait3A_694 = tpu.memref_squeeze %dma_wait3A_693 : memref<1x64x128xf32, #tpu.memory_space<vmem>> -> memref<64x128xf32, #tpu.memory_space<vmem>>
        tpu.wait_dma2 semaphore(%arg19 : memref<!tpu.dma_semaphore, #tpu.memory_space<semaphore_mem>>) src(%dma_wait3A_694 : memref<64x128xf32, #tpu.memory_space<vmem>>) dst(%dma_wait3A_690 : memref<64x128xf32, #tpu.memory_space<hbm>>)
      } else {
      }
      %add3A_548 = arith.constant 5 : i32
      %add3A_549 = arith.addi %add3A_535, %add3A_548 : i32
      %lt3A_550 = arith.constant 100 : i32
      %lt3A_551 = arith.cmpi slt, %add3A_549, %lt3A_550 : i32
      %convert_element_type3A_552 = arith.extui %lt3A_551 : i1 to i32
      %cond3A_553 = arith.constant 0 : i32
      %cond3A_554 = arith.cmpi ne, %convert_element_type3A_552, %cond3A_553 : i32
      scf.if %cond3A_554 {
        %add3A_682 = arith.constant 5 : i32
        %add3A_683 = arith.addi %add3A_535, %add3A_682 : i32
        %mul3A_684 = arith.constant 64 : i32
        %mul3A_685 = arith.muli %add3A_683, %mul3A_684 : i32
        %dma_start3A_686 = arith.constant 2 : i32
        %dma_start3A_687 = arith.constant 0 : i32
        %dma_start3A_688 = arith.constant 0 : i32
        %dma_start3A_689 = tpu.memref_slice %arg6[%dma_start3A_686, %dma_start3A_687, %dma_start3A_688] : memref<10x64x128xf32, #tpu.memory_space<vmem>> -> memref<1x64x128xf32, #tpu.memory_space<vmem>>
        %dma_start3A_690 = tpu.memref_squeeze %dma_start3A_689 : memref<1x64x128xf32, #tpu.memory_space<vmem>> -> memref<64x128xf32, #tpu.memory_space<vmem>>
        %dma_start3A_691 = tpu.memref_slice %arg5[%mul3A_685] : memref<6400xi32, #tpu.memory_space<vmem>> -> memref<64xi32, #tpu.memory_space<vmem>>
        %dma_start3A_692 = arith.constant 0 : i32
        %dma_start3A_693 = arith.constant 0 : i32
        %dma_start3A_694 = tpu.memref_slice %arg2[%dma_start3A_692, %dma_start3A_693] : memref<100000x128xf32, #tpu.memory_space<hbm>> -> memref<100000x128xf32, #tpu.memory_space<hbm>>
        tpu.enqueue_indirect_dma source(%dma_start3A_694 : memref<100000x128xf32, #tpu.memory_space<hbm>>) target(%dma_start3A_690 : memref<64x128xf32, #tpu.memory_space<vmem>>) offsets(%dma_start3A_691 : memref<64xi32, #tpu.memory_space<vmem>>) semaphore(%arg9 : memref<!tpu.dma_semaphore, #tpu.memory_space<semaphore_mem>>)
      } else {
      }
      %mul3A_555 = arith.constant 64 : i32
      %mul3A_556 = arith.muli %add3A_535, %mul3A_555 : i32
      %dma_wait3A_557 = arith.constant 7 : i32
      %dma_wait3A_558 = arith.constant 0 : i32
      %dma_wait3A_559 = arith.constant 0 : i32
      %dma_wait3A_560 = tpu.memref_slice %arg6[%dma_wait3A_557, %dma_wait3A_558, %dma_wait3A_559] : memref<10x64x128xf32, #tpu.memory_space<vmem>> -> memref<1x64x128xf32, #tpu.memory_space<vmem>>
      %dma_wait3A_561 = tpu.memref_squeeze %dma_wait3A_560 : memref<1x64x128xf32, #tpu.memory_space<vmem>> -> memref<64x128xf32, #tpu.memory_space<vmem>>
      %dma_wait3A_562 = tpu.memref_slice %arg5[%mul3A_556] : memref<6400xi32, #tpu.memory_space<vmem>> -> memref<64xi32, #tpu.memory_space<vmem>>
      %dma_wait3A_563 = arith.constant 0 : i32
      %dma_wait3A_564 = arith.constant 0 : i32
      %dma_wait3A_565 = tpu.memref_slice %arg2[%dma_wait3A_563, %dma_wait3A_564] : memref<100000x128xf32, #tpu.memory_space<hbm>> -> memref<100000x128xf32, #tpu.memory_space<hbm>>
      tpu.wait_indirect_dma semaphore(%arg14 : memref<!tpu.dma_semaphore, #tpu.memory_space<semaphore_mem>>) src(%dma_wait3A_565 : memref<100000x128xf32, #tpu.memory_space<hbm>>) dst(%dma_wait3A_561 : memref<64x128xf32, #tpu.memory_space<vmem>>)
      %mul3A_566 = arith.constant 64 : i32
      %mul3A_567 = arith.muli %add3A_535, %mul3A_566 : i32
      %add3A_568 = arith.addi %mul3A_2, %mul3A_567 : i32
      %dma_start3A_569 = arith.constant 7 : i32
      %dma_start3A_570 = arith.constant 0 : i32
      %dma_start3A_571 = arith.constant 0 : i32
      %dma_start3A_572 = tpu.memref_slice %arg6[%dma_start3A_569, %dma_start3A_570, %dma_start3A_571] : memref<10x64x128xf32, #tpu.memory_space<vmem>> -> memref<1x64x128xf32, #tpu.memory_space<vmem>>
      %dma_start3A_573 = tpu.memref_squeeze %dma_start3A_572 : memref<1x64x128xf32, #tpu.memory_space<vmem>> -> memref<64x128xf32, #tpu.memory_space<vmem>>
      %dma_start3A_574 = arith.constant 0 : i32
      %dma_start3A_575 = tpu.memref_slice %arg4[%add3A_568, %dma_start3A_574] : memref<204800x128xf32, #tpu.memory_space<hbm>> -> memref<64x128xf32, #tpu.memory_space<hbm>>
      %dma_start3A_576 = arith.constant 0 : i32
      %dma_start3A_577 = tpu.memref_slice %arg4[%add3A_568, %dma_start3A_576] : memref<204800x128xf32, #tpu.memory_space<hbm>> -> memref<64x128xf32, #tpu.memory_space<hbm>>
      %dma_start3A_578 = arith.constant 0 : i32
      %dma_start3A_579 = arith.constant 0 : i32
      %dma_start3A_580 = tpu.memref_slice %arg6[%dma_start3A_569, %dma_start3A_578, %dma_start3A_579] : memref<10x64x128xf32, #tpu.memory_space<vmem>> -> memref<1x64x128xf32, #tpu.memory_space<vmem>>
      %dma_start3A_581 = tpu.memref_squeeze %dma_start3A_580 : memref<1x64x128xf32, #tpu.memory_space<vmem>> -> memref<64x128xf32, #tpu.memory_space<vmem>>
      tpu.enqueue_dma source(%dma_start3A_581 : memref<64x128xf32, #tpu.memory_space<vmem>>) target(%dma_start3A_577 : memref<64x128xf32, #tpu.memory_space<hbm>>) target_semaphore(%arg24 : memref<!tpu.dma_semaphore, #tpu.memory_space<semaphore_mem>>)
      %mul3A_582 = arith.constant 10 : i32
      %mul3A_583 = arith.muli %scan3A_186, %mul3A_582 : i32
      %add3A_584 = arith.constant 8 : i32
      %add3A_585 = arith.addi %mul3A_583, %add3A_584 : i32
      %add3A_586 = arith.constant 5 : i32
      %add3A_587 = arith.addi %add3A_585, %add3A_586 : i32
      %lt3A_588 = arith.constant 100 : i32
      %lt3A_589 = arith.cmpi slt, %add3A_587, %lt3A_588 : i32
      %add3A_590 = arith.constant 5 : i32
      %add3A_591 = arith.addi %add3A_585, %add3A_590 : i32
      %ge3A_592 = arith.constant 10 : i32
      %ge3A_593 = arith.cmpi sge, %add3A_591, %ge3A_592 : i32
      %and3A_594 = arith.andi %lt3A_589, %ge3A_593 : i1
      %convert_element_type3A_595 = arith.extui %and3A_594 : i1 to i32
      %cond3A_596 = arith.constant 0 : i32
      %cond3A_597 = arith.cmpi ne, %convert_element_type3A_595, %cond3A_596 : i32
      scf.if %cond3A_597 {
        %dma_wait3A_682 = arith.constant 3 : i32
        %dma_wait3A_683 = arith.constant 0 : i32
        %dma_wait3A_684 = arith.constant 0 : i32
        %dma_wait3A_685 = tpu.memref_slice %arg6[%dma_wait3A_682, %dma_wait3A_683, %dma_wait3A_684] : memref<10x64x128xf32, #tpu.memory_space<vmem>> -> memref<1x64x128xf32, #tpu.memory_space<vmem>>
        %dma_wait3A_686 = tpu.memref_squeeze %dma_wait3A_685 : memref<1x64x128xf32, #tpu.memory_space<vmem>> -> memref<64x128xf32, #tpu.memory_space<vmem>>
        %dma_wait3A_687 = arith.constant 0 : i32
        %dma_wait3A_688 = tpu.memref_slice %arg4[%mul3A_2, %dma_wait3A_687] : memref<204800x128xf32, #tpu.memory_space<hbm>> -> memref<64x128xf32, #tpu.memory_space<hbm>>
        %dma_wait3A_689 = arith.constant 0 : i32
        %dma_wait3A_690 = tpu.memref_slice %arg4[%mul3A_2, %dma_wait3A_689] : memref<204800x128xf32, #tpu.memory_space<hbm>> -> memref<64x128xf32, #tpu.memory_space<hbm>>
        %dma_wait3A_691 = arith.constant 0 : i32
        %dma_wait3A_692 = arith.constant 0 : i32
        %dma_wait3A_693 = tpu.memref_slice %arg6[%dma_wait3A_682, %dma_wait3A_691, %dma_wait3A_692] : memref<10x64x128xf32, #tpu.memory_space<vmem>> -> memref<1x64x128xf32, #tpu.memory_space<vmem>>
        %dma_wait3A_694 = tpu.memref_squeeze %dma_wait3A_693 : memref<1x64x128xf32, #tpu.memory_space<vmem>> -> memref<64x128xf32, #tpu.memory_space<vmem>>
        tpu.wait_dma2 semaphore(%arg20 : memref<!tpu.dma_semaphore, #tpu.memory_space<semaphore_mem>>) src(%dma_wait3A_694 : memref<64x128xf32, #tpu.memory_space<vmem>>) dst(%dma_wait3A_690 : memref<64x128xf32, #tpu.memory_space<hbm>>)
      } else {
      }
      %add3A_598 = arith.constant 5 : i32
      %add3A_599 = arith.addi %add3A_585, %add3A_598 : i32
      %lt3A_600 = arith.constant 100 : i32
      %lt3A_601 = arith.cmpi slt, %add3A_599, %lt3A_600 : i32
      %convert_element_type3A_602 = arith.extui %lt3A_601 : i1 to i32
      %cond3A_603 = arith.constant 0 : i32
      %cond3A_604 = arith.cmpi ne, %convert_element_type3A_602, %cond3A_603 : i32
      scf.if %cond3A_604 {
        %add3A_682 = arith.constant 5 : i32
        %add3A_683 = arith.addi %add3A_585, %add3A_682 : i32
        %mul3A_684 = arith.constant 64 : i32
        %mul3A_685 = arith.muli %add3A_683, %mul3A_684 : i32
        %dma_start3A_686 = arith.constant 3 : i32
        %dma_start3A_687 = arith.constant 0 : i32
        %dma_start3A_688 = arith.constant 0 : i32
        %dma_start3A_689 = tpu.memref_slice %arg6[%dma_start3A_686, %dma_start3A_687, %dma_start3A_688] : memref<10x64x128xf32, #tpu.memory_space<vmem>> -> memref<1x64x128xf32, #tpu.memory_space<vmem>>
        %dma_start3A_690 = tpu.memref_squeeze %dma_start3A_689 : memref<1x64x128xf32, #tpu.memory_space<vmem>> -> memref<64x128xf32, #tpu.memory_space<vmem>>
        %dma_start3A_691 = tpu.memref_slice %arg5[%mul3A_685] : memref<6400xi32, #tpu.memory_space<vmem>> -> memref<64xi32, #tpu.memory_space<vmem>>
        %dma_start3A_692 = arith.constant 0 : i32
        %dma_start3A_693 = arith.constant 0 : i32
        %dma_start3A_694 = tpu.memref_slice %arg2[%dma_start3A_692, %dma_start3A_693] : memref<100000x128xf32, #tpu.memory_space<hbm>> -> memref<100000x128xf32, #tpu.memory_space<hbm>>
        tpu.enqueue_indirect_dma source(%dma_start3A_694 : memref<100000x128xf32, #tpu.memory_space<hbm>>) target(%dma_start3A_690 : memref<64x128xf32, #tpu.memory_space<vmem>>) offsets(%dma_start3A_691 : memref<64xi32, #tpu.memory_space<vmem>>) semaphore(%arg10 : memref<!tpu.dma_semaphore, #tpu.memory_space<semaphore_mem>>)
      } else {
      }
      %mul3A_605 = arith.constant 64 : i32
      %mul3A_606 = arith.muli %add3A_585, %mul3A_605 : i32
      %dma_wait3A_607 = arith.constant 8 : i32
      %dma_wait3A_608 = arith.constant 0 : i32
      %dma_wait3A_609 = arith.constant 0 : i32
      %dma_wait3A_610 = tpu.memref_slice %arg6[%dma_wait3A_607, %dma_wait3A_608, %dma_wait3A_609] : memref<10x64x128xf32, #tpu.memory_space<vmem>> -> memref<1x64x128xf32, #tpu.memory_space<vmem>>
      %dma_wait3A_611 = tpu.memref_squeeze %dma_wait3A_610 : memref<1x64x128xf32, #tpu.memory_space<vmem>> -> memref<64x128xf32, #tpu.memory_space<vmem>>
      %dma_wait3A_612 = tpu.memref_slice %arg5[%mul3A_606] : memref<6400xi32, #tpu.memory_space<vmem>> -> memref<64xi32, #tpu.memory_space<vmem>>
      %dma_wait3A_613 = arith.constant 0 : i32
      %dma_wait3A_614 = arith.constant 0 : i32
      %dma_wait3A_615 = tpu.memref_slice %arg2[%dma_wait3A_613, %dma_wait3A_614] : memref<100000x128xf32, #tpu.memory_space<hbm>> -> memref<100000x128xf32, #tpu.memory_space<hbm>>
      tpu.wait_indirect_dma semaphore(%arg15 : memref<!tpu.dma_semaphore, #tpu.memory_space<semaphore_mem>>) src(%dma_wait3A_615 : memref<100000x128xf32, #tpu.memory_space<hbm>>) dst(%dma_wait3A_611 : memref<64x128xf32, #tpu.memory_space<vmem>>)
      %mul3A_616 = arith.constant 64 : i32
      %mul3A_617 = arith.muli %add3A_585, %mul3A_616 : i32
      %add3A_618 = arith.addi %mul3A_2, %mul3A_617 : i32
      %dma_start3A_619 = arith.constant 8 : i32
      %dma_start3A_620 = arith.constant 0 : i32
      %dma_start3A_621 = arith.constant 0 : i32
      %dma_start3A_622 = tpu.memref_slice %arg6[%dma_start3A_619, %dma_start3A_620, %dma_start3A_621] : memref<10x64x128xf32, #tpu.memory_space<vmem>> -> memref<1x64x128xf32, #tpu.memory_space<vmem>>
      %dma_start3A_623 = tpu.memref_squeeze %dma_start3A_622 : memref<1x64x128xf32, #tpu.memory_space<vmem>> -> memref<64x128xf32, #tpu.memory_space<vmem>>
      %dma_start3A_624 = arith.constant 0 : i32
      %dma_start3A_625 = tpu.memref_slice %arg4[%add3A_618, %dma_start3A_624] : memref<204800x128xf32, #tpu.memory_space<hbm>> -> memref<64x128xf32, #tpu.memory_space<hbm>>
      %dma_start3A_626 = arith.constant 0 : i32
      %dma_start3A_627 = tpu.memref_slice %arg4[%add3A_618, %dma_start3A_626] : memref<204800x128xf32, #tpu.memory_space<hbm>> -> memref<64x128xf32, #tpu.memory_space<hbm>>
      %dma_start3A_628 = arith.constant 0 : i32
      %dma_start3A_629 = arith.constant 0 : i32
      %dma_start3A_630 = tpu.memref_slice %arg6[%dma_start3A_619, %dma_start3A_628, %dma_start3A_629] : memref<10x64x128xf32, #tpu.memory_space<vmem>> -> memref<1x64x128xf32, #tpu.memory_space<vmem>>
      %dma_start3A_631 = tpu.memref_squeeze %dma_start3A_630 : memref<1x64x128xf32, #tpu.memory_space<vmem>> -> memref<64x128xf32, #tpu.memory_space<vmem>>
      tpu.enqueue_dma source(%dma_start3A_631 : memref<64x128xf32, #tpu.memory_space<vmem>>) target(%dma_start3A_627 : memref<64x128xf32, #tpu.memory_space<hbm>>) target_semaphore(%arg25 : memref<!tpu.dma_semaphore, #tpu.memory_space<semaphore_mem>>)
      %mul3A_632 = arith.constant 10 : i32
      %mul3A_633 = arith.muli %scan3A_186, %mul3A_632 : i32
      %add3A_634 = arith.constant 9 : i32
      %add3A_635 = arith.addi %mul3A_633, %add3A_634 : i32
      %add3A_636 = arith.constant 5 : i32
      %add3A_637 = arith.addi %add3A_635, %add3A_636 : i32
      %lt3A_638 = arith.constant 100 : i32
      %lt3A_639 = arith.cmpi slt, %add3A_637, %lt3A_638 : i32
      %add3A_640 = arith.constant 5 : i32
      %add3A_641 = arith.addi %add3A_635, %add3A_640 : i32
      %ge3A_642 = arith.constant 10 : i32
      %ge3A_643 = arith.cmpi sge, %add3A_641, %ge3A_642 : i32
      %and3A_644 = arith.andi %lt3A_639, %ge3A_643 : i1
      %convert_element_type3A_645 = arith.extui %and3A_644 : i1 to i32
      %cond3A_646 = arith.constant 0 : i32
      %cond3A_647 = arith.cmpi ne, %convert_element_type3A_645, %cond3A_646 : i32
      scf.if %cond3A_647 {
        %dma_wait3A_682 = arith.constant 4 : i32
        %dma_wait3A_683 = arith.constant 0 : i32
        %dma_wait3A_684 = arith.constant 0 : i32
        %dma_wait3A_685 = tpu.memref_slice %arg6[%dma_wait3A_682, %dma_wait3A_683, %dma_wait3A_684] : memref<10x64x128xf32, #tpu.memory_space<vmem>> -> memref<1x64x128xf32, #tpu.memory_space<vmem>>
        %dma_wait3A_686 = tpu.memref_squeeze %dma_wait3A_685 : memref<1x64x128xf32, #tpu.memory_space<vmem>> -> memref<64x128xf32, #tpu.memory_space<vmem>>
        %dma_wait3A_687 = arith.constant 0 : i32
        %dma_wait3A_688 = tpu.memref_slice %arg4[%mul3A_2, %dma_wait3A_687] : memref<204800x128xf32, #tpu.memory_space<hbm>> -> memref<64x128xf32, #tpu.memory_space<hbm>>
        %dma_wait3A_689 = arith.constant 0 : i32
        %dma_wait3A_690 = tpu.memref_slice %arg4[%mul3A_2, %dma_wait3A_689] : memref<204800x128xf32, #tpu.memory_space<hbm>> -> memref<64x128xf32, #tpu.memory_space<hbm>>
        %dma_wait3A_691 = arith.constant 0 : i32
        %dma_wait3A_692 = arith.constant 0 : i32
        %dma_wait3A_693 = tpu.memref_slice %arg6[%dma_wait3A_682, %dma_wait3A_691, %dma_wait3A_692] : memref<10x64x128xf32, #tpu.memory_space<vmem>> -> memref<1x64x128xf32, #tpu.memory_space<vmem>>
        %dma_wait3A_694 = tpu.memref_squeeze %dma_wait3A_693 : memref<1x64x128xf32, #tpu.memory_space<vmem>> -> memref<64x128xf32, #tpu.memory_space<vmem>>
        tpu.wait_dma2 semaphore(%arg21 : memref<!tpu.dma_semaphore, #tpu.memory_space<semaphore_mem>>) src(%dma_wait3A_694 : memref<64x128xf32, #tpu.memory_space<vmem>>) dst(%dma_wait3A_690 : memref<64x128xf32, #tpu.memory_space<hbm>>)
      } else {
      }
      %add3A_648 = arith.constant 5 : i32
      %add3A_649 = arith.addi %add3A_635, %add3A_648 : i32
      %lt3A_650 = arith.constant 100 : i32
      %lt3A_651 = arith.cmpi slt, %add3A_649, %lt3A_650 : i32
      %convert_element_type3A_652 = arith.extui %lt3A_651 : i1 to i32
      %cond3A_653 = arith.constant 0 : i32
      %cond3A_654 = arith.cmpi ne, %convert_element_type3A_652, %cond3A_653 : i32
      scf.if %cond3A_654 {
        %add3A_682 = arith.constant 5 : i32
        %add3A_683 = arith.addi %add3A_635, %add3A_682 : i32
        %mul3A_684 = arith.constant 64 : i32
        %mul3A_685 = arith.muli %add3A_683, %mul3A_684 : i32
        %dma_start3A_686 = arith.constant 4 : i32
        %dma_start3A_687 = arith.constant 0 : i32
        %dma_start3A_688 = arith.constant 0 : i32
        %dma_start3A_689 = tpu.memref_slice %arg6[%dma_start3A_686, %dma_start3A_687, %dma_start3A_688] : memref<10x64x128xf32, #tpu.memory_space<vmem>> -> memref<1x64x128xf32, #tpu.memory_space<vmem>>
        %dma_start3A_690 = tpu.memref_squeeze %dma_start3A_689 : memref<1x64x128xf32, #tpu.memory_space<vmem>> -> memref<64x128xf32, #tpu.memory_space<vmem>>
        %dma_start3A_691 = tpu.memref_slice %arg5[%mul3A_685] : memref<6400xi32, #tpu.memory_space<vmem>> -> memref<64xi32, #tpu.memory_space<vmem>>
        %dma_start3A_692 = arith.constant 0 : i32
        %dma_start3A_693 = arith.constant 0 : i32
        %dma_start3A_694 = tpu.memref_slice %arg2[%dma_start3A_692, %dma_start3A_693] : memref<100000x128xf32, #tpu.memory_space<hbm>> -> memref<100000x128xf32, #tpu.memory_space<hbm>>
        tpu.enqueue_indirect_dma source(%dma_start3A_694 : memref<100000x128xf32, #tpu.memory_space<hbm>>) target(%dma_start3A_690 : memref<64x128xf32, #tpu.memory_space<vmem>>) offsets(%dma_start3A_691 : memref<64xi32, #tpu.memory_space<vmem>>) semaphore(%arg11 : memref<!tpu.dma_semaphore, #tpu.memory_space<semaphore_mem>>)
      } else {
      }
      %mul3A_655 = arith.constant 64 : i32
      %mul3A_656 = arith.muli %add3A_635, %mul3A_655 : i32
      %dma_wait3A_657 = arith.constant 9 : i32
      %dma_wait3A_658 = arith.constant 0 : i32
      %dma_wait3A_659 = arith.constant 0 : i32
      %dma_wait3A_660 = tpu.memref_slice %arg6[%dma_wait3A_657, %dma_wait3A_658, %dma_wait3A_659] : memref<10x64x128xf32, #tpu.memory_space<vmem>> -> memref<1x64x128xf32, #tpu.memory_space<vmem>>
      %dma_wait3A_661 = tpu.memref_squeeze %dma_wait3A_660 : memref<1x64x128xf32, #tpu.memory_space<vmem>> -> memref<64x128xf32, #tpu.memory_space<vmem>>
      %dma_wait3A_662 = tpu.memref_slice %arg5[%mul3A_656] : memref<6400xi32, #tpu.memory_space<vmem>> -> memref<64xi32, #tpu.memory_space<vmem>>
      %dma_wait3A_663 = arith.constant 0 : i32
      %dma_wait3A_664 = arith.constant 0 : i32
      %dma_wait3A_665 = tpu.memref_slice %arg2[%dma_wait3A_663, %dma_wait3A_664] : memref<100000x128xf32, #tpu.memory_space<hbm>> -> memref<100000x128xf32, #tpu.memory_space<hbm>>
      tpu.wait_indirect_dma semaphore(%arg16 : memref<!tpu.dma_semaphore, #tpu.memory_space<semaphore_mem>>) src(%dma_wait3A_665 : memref<100000x128xf32, #tpu.memory_space<hbm>>) dst(%dma_wait3A_661 : memref<64x128xf32, #tpu.memory_space<vmem>>)
      %mul3A_666 = arith.constant 64 : i32
      %mul3A_667 = arith.muli %add3A_635, %mul3A_666 : i32
      %add3A_668 = arith.addi %mul3A_2, %mul3A_667 : i32
      %dma_start3A_669 = arith.constant 9 : i32
      %dma_start3A_670 = arith.constant 0 : i32
      %dma_start3A_671 = arith.constant 0 : i32
      %dma_start3A_672 = tpu.memref_slice %arg6[%dma_start3A_669, %dma_start3A_670, %dma_start3A_671] : memref<10x64x128xf32, #tpu.memory_space<vmem>> -> memref<1x64x128xf32, #tpu.memory_space<vmem>>
      %dma_start3A_673 = tpu.memref_squeeze %dma_start3A_672 : memref<1x64x128xf32, #tpu.memory_space<vmem>> -> memref<64x128xf32, #tpu.memory_space<vmem>>
      %dma_start3A_674 = arith.constant 0 : i32
      %dma_start3A_675 = tpu.memref_slice %arg4[%add3A_668, %dma_start3A_674] : memref<204800x128xf32, #tpu.memory_space<hbm>> -> memref<64x128xf32, #tpu.memory_space<hbm>>
      %dma_start3A_676 = arith.constant 0 : i32
      %dma_start3A_677 = tpu.memref_slice %arg4[%add3A_668, %dma_start3A_676] : memref<204800x128xf32, #tpu.memory_space<hbm>> -> memref<64x128xf32, #tpu.memory_space<hbm>>
      %dma_start3A_678 = arith.constant 0 : i32
      %dma_start3A_679 = arith.constant 0 : i32
      %dma_start3A_680 = tpu.memref_slice %arg6[%dma_start3A_669, %dma_start3A_678, %dma_start3A_679] : memref<10x64x128xf32, #tpu.memory_space<vmem>> -> memref<1x64x128xf32, #tpu.memory_space<vmem>>
      %dma_start3A_681 = tpu.memref_squeeze %dma_start3A_680 : memref<1x64x128xf32, #tpu.memory_space<vmem>> -> memref<64x128xf32, #tpu.memory_space<vmem>>
      tpu.enqueue_dma source(%dma_start3A_681 : memref<64x128xf32, #tpu.memory_space<vmem>>) target(%dma_start3A_677 : memref<64x128xf32, #tpu.memory_space<hbm>>) target_semaphore(%arg26 : memref<!tpu.dma_semaphore, #tpu.memory_space<semaphore_mem>>)
    }
    %scan3A_56 = arith.constant 10 : i32
    %dma_wait3A = arith.constant 0 : i32
    %dma_wait3A_57 = arith.constant 0 : i32
    %dma_wait3A_58 = arith.constant 0 : i32
    %dma_wait3A_59 = tpu.memref_slice %arg6[%dma_wait3A, %dma_wait3A_57, %dma_wait3A_58] : memref<10x64x128xf32, #tpu.memory_space<vmem>> -> memref<1x64x128xf32, #tpu.memory_space<vmem>>
    %dma_wait3A_60 = tpu.memref_squeeze %dma_wait3A_59 : memref<1x64x128xf32, #tpu.memory_space<vmem>> -> memref<64x128xf32, #tpu.memory_space<vmem>>
    %dma_wait3A_61 = arith.constant 0 : i32
    %dma_wait3A_62 = tpu.memref_slice %arg4[%mul3A_2, %dma_wait3A_61] : memref<204800x128xf32, #tpu.memory_space<hbm>> -> memref<64x128xf32, #tpu.memory_space<hbm>>
    %dma_wait3A_63 = arith.constant 0 : i32
    %dma_wait3A_64 = tpu.memref_slice %arg4[%mul3A_2, %dma_wait3A_63] : memref<204800x128xf32, #tpu.memory_space<hbm>> -> memref<64x128xf32, #tpu.memory_space<hbm>>
    %dma_wait3A_65 = arith.constant 0 : i32
    %dma_wait3A_66 = arith.constant 0 : i32
    %dma_wait3A_67 = tpu.memref_slice %arg6[%dma_wait3A, %dma_wait3A_65, %dma_wait3A_66] : memref<10x64x128xf32, #tpu.memory_space<vmem>> -> memref<1x64x128xf32, #tpu.memory_space<vmem>>
    %dma_wait3A_68 = tpu.memref_squeeze %dma_wait3A_67 : memref<1x64x128xf32, #tpu.memory_space<vmem>> -> memref<64x128xf32, #tpu.memory_space<vmem>>
    tpu.wait_dma2 semaphore(%arg17 : memref<!tpu.dma_semaphore, #tpu.memory_space<semaphore_mem>>) src(%dma_wait3A_68 : memref<64x128xf32, #tpu.memory_space<vmem>>) dst(%dma_wait3A_64 : memref<64x128xf32, #tpu.memory_space<hbm>>)
    %dma_wait3A_69 = arith.constant 1 : i32
    %dma_wait3A_70 = arith.constant 0 : i32
    %dma_wait3A_71 = arith.constant 0 : i32
    %dma_wait3A_72 = tpu.memref_slice %arg6[%dma_wait3A_69, %dma_wait3A_70, %dma_wait3A_71] : memref<10x64x128xf32, #tpu.memory_space<vmem>> -> memref<1x64x128xf32, #tpu.memory_space<vmem>>
    %dma_wait3A_73 = tpu.memref_squeeze %dma_wait3A_72 : memref<1x64x128xf32, #tpu.memory_space<vmem>> -> memref<64x128xf32, #tpu.memory_space<vmem>>
    %dma_wait3A_74 = arith.constant 0 : i32
    %dma_wait3A_75 = tpu.memref_slice %arg4[%mul3A_2, %dma_wait3A_74] : memref<204800x128xf32, #tpu.memory_space<hbm>> -> memref<64x128xf32, #tpu.memory_space<hbm>>
    %dma_wait3A_76 = arith.constant 0 : i32
    %dma_wait3A_77 = tpu.memref_slice %arg4[%mul3A_2, %dma_wait3A_76] : memref<204800x128xf32, #tpu.memory_space<hbm>> -> memref<64x128xf32, #tpu.memory_space<hbm>>
    %dma_wait3A_78 = arith.constant 0 : i32
    %dma_wait3A_79 = arith.constant 0 : i32
    %dma_wait3A_80 = tpu.memref_slice %arg6[%dma_wait3A_69, %dma_wait3A_78, %dma_wait3A_79] : memref<10x64x128xf32, #tpu.memory_space<vmem>> -> memref<1x64x128xf32, #tpu.memory_space<vmem>>
    %dma_wait3A_81 = tpu.memref_squeeze %dma_wait3A_80 : memref<1x64x128xf32, #tpu.memory_space<vmem>> -> memref<64x128xf32, #tpu.memory_space<vmem>>
    tpu.wait_dma2 semaphore(%arg18 : memref<!tpu.dma_semaphore, #tpu.memory_space<semaphore_mem>>) src(%dma_wait3A_81 : memref<64x128xf32, #tpu.memory_space<vmem>>) dst(%dma_wait3A_77 : memref<64x128xf32, #tpu.memory_space<hbm>>)
    %dma_wait3A_82 = arith.constant 2 : i32
    %dma_wait3A_83 = arith.constant 0 : i32
    %dma_wait3A_84 = arith.constant 0 : i32
    %dma_wait3A_85 = tpu.memref_slice %arg6[%dma_wait3A_82, %dma_wait3A_83, %dma_wait3A_84] : memref<10x64x128xf32, #tpu.memory_space<vmem>> -> memref<1x64x128xf32, #tpu.memory_space<vmem>>
    %dma_wait3A_86 = tpu.memref_squeeze %dma_wait3A_85 : memref<1x64x128xf32, #tpu.memory_space<vmem>> -> memref<64x128xf32, #tpu.memory_space<vmem>>
    %dma_wait3A_87 = arith.constant 0 : i32
    %dma_wait3A_88 = tpu.memref_slice %arg4[%mul3A_2, %dma_wait3A_87] : memref<204800x128xf32, #tpu.memory_space<hbm>> -> memref<64x128xf32, #tpu.memory_space<hbm>>
    %dma_wait3A_89 = arith.constant 0 : i32
    %dma_wait3A_90 = tpu.memref_slice %arg4[%mul3A_2, %dma_wait3A_89] : memref<204800x128xf32, #tpu.memory_space<hbm>> -> memref<64x128xf32, #tpu.memory_space<hbm>>
    %dma_wait3A_91 = arith.constant 0 : i32
    %dma_wait3A_92 = arith.constant 0 : i32
    %dma_wait3A_93 = tpu.memref_slice %arg6[%dma_wait3A_82, %dma_wait3A_91, %dma_wait3A_92] : memref<10x64x128xf32, #tpu.memory_space<vmem>> -> memref<1x64x128xf32, #tpu.memory_space<vmem>>
    %dma_wait3A_94 = tpu.memref_squeeze %dma_wait3A_93 : memref<1x64x128xf32, #tpu.memory_space<vmem>> -> memref<64x128xf32, #tpu.memory_space<vmem>>
    tpu.wait_dma2 semaphore(%arg19 : memref<!tpu.dma_semaphore, #tpu.memory_space<semaphore_mem>>) src(%dma_wait3A_94 : memref<64x128xf32, #tpu.memory_space<vmem>>) dst(%dma_wait3A_90 : memref<64x128xf32, #tpu.memory_space<hbm>>)
    %dma_wait3A_95 = arith.constant 3 : i32
    %dma_wait3A_96 = arith.constant 0 : i32
    %dma_wait3A_97 = arith.constant 0 : i32
    %dma_wait3A_98 = tpu.memref_slice %arg6[%dma_wait3A_95, %dma_wait3A_96, %dma_wait3A_97] : memref<10x64x128xf32, #tpu.memory_space<vmem>> -> memref<1x64x128xf32, #tpu.memory_space<vmem>>
    %dma_wait3A_99 = tpu.memref_squeeze %dma_wait3A_98 : memref<1x64x128xf32, #tpu.memory_space<vmem>> -> memref<64x128xf32, #tpu.memory_space<vmem>>
    %dma_wait3A_100 = arith.constant 0 : i32
    %dma_wait3A_101 = tpu.memref_slice %arg4[%mul3A_2, %dma_wait3A_100] : memref<204800x128xf32, #tpu.memory_space<hbm>> -> memref<64x128xf32, #tpu.memory_space<hbm>>
    %dma_wait3A_102 = arith.constant 0 : i32
    %dma_wait3A_103 = tpu.memref_slice %arg4[%mul3A_2, %dma_wait3A_102] : memref<204800x128xf32, #tpu.memory_space<hbm>> -> memref<64x128xf32, #tpu.memory_space<hbm>>
    %dma_wait3A_104 = arith.constant 0 : i32
    %dma_wait3A_105 = arith.constant 0 : i32
    %dma_wait3A_106 = tpu.memref_slice %arg6[%dma_wait3A_95, %dma_wait3A_104, %dma_wait3A_105] : memref<10x64x128xf32, #tpu.memory_space<vmem>> -> memref<1x64x128xf32, #tpu.memory_space<vmem>>
    %dma_wait3A_107 = tpu.memref_squeeze %dma_wait3A_106 : memref<1x64x128xf32, #tpu.memory_space<vmem>> -> memref<64x128xf32, #tpu.memory_space<vmem>>
    tpu.wait_dma2 semaphore(%arg20 : memref<!tpu.dma_semaphore, #tpu.memory_space<semaphore_mem>>) src(%dma_wait3A_107 : memref<64x128xf32, #tpu.memory_space<vmem>>) dst(%dma_wait3A_103 : memref<64x128xf32, #tpu.memory_space<hbm>>)
    %dma_wait3A_108 = arith.constant 4 : i32
    %dma_wait3A_109 = arith.constant 0 : i32
    %dma_wait3A_110 = arith.constant 0 : i32
    %dma_wait3A_111 = tpu.memref_slice %arg6[%dma_wait3A_108, %dma_wait3A_109, %dma_wait3A_110] : memref<10x64x128xf32, #tpu.memory_space<vmem>> -> memref<1x64x128xf32, #tpu.memory_space<vmem>>
    %dma_wait3A_112 = tpu.memref_squeeze %dma_wait3A_111 : memref<1x64x128xf32, #tpu.memory_space<vmem>> -> memref<64x128xf32, #tpu.memory_space<vmem>>
    %dma_wait3A_113 = arith.constant 0 : i32
    %dma_wait3A_114 = tpu.memref_slice %arg4[%mul3A_2, %dma_wait3A_113] : memref<204800x128xf32, #tpu.memory_space<hbm>> -> memref<64x128xf32, #tpu.memory_space<hbm>>
    %dma_wait3A_115 = arith.constant 0 : i32
    %dma_wait3A_116 = tpu.memref_slice %arg4[%mul3A_2, %dma_wait3A_115] : memref<204800x128xf32, #tpu.memory_space<hbm>> -> memref<64x128xf32, #tpu.memory_space<hbm>>
    %dma_wait3A_117 = arith.constant 0 : i32
    %dma_wait3A_118 = arith.constant 0 : i32
    %dma_wait3A_119 = tpu.memref_slice %arg6[%dma_wait3A_108, %dma_wait3A_117, %dma_wait3A_118] : memref<10x64x128xf32, #tpu.memory_space<vmem>> -> memref<1x64x128xf32, #tpu.memory_space<vmem>>
    %dma_wait3A_120 = tpu.memref_squeeze %dma_wait3A_119 : memref<1x64x128xf32, #tpu.memory_space<vmem>> -> memref<64x128xf32, #tpu.memory_space<vmem>>
    tpu.wait_dma2 semaphore(%arg21 : memref<!tpu.dma_semaphore, #tpu.memory_space<semaphore_mem>>) src(%dma_wait3A_120 : memref<64x128xf32, #tpu.memory_space<vmem>>) dst(%dma_wait3A_116 : memref<64x128xf32, #tpu.memory_space<hbm>>)
    %dma_wait3A_121 = arith.constant 5 : i32
    %dma_wait3A_122 = arith.constant 0 : i32
    %dma_wait3A_123 = arith.constant 0 : i32
    %dma_wait3A_124 = tpu.memref_slice %arg6[%dma_wait3A_121, %dma_wait3A_122, %dma_wait3A_123] : memref<10x64x128xf32, #tpu.memory_space<vmem>> -> memref<1x64x128xf32, #tpu.memory_space<vmem>>
    %dma_wait3A_125 = tpu.memref_squeeze %dma_wait3A_124 : memref<1x64x128xf32, #tpu.memory_space<vmem>> -> memref<64x128xf32, #tpu.memory_space<vmem>>
    %dma_wait3A_126 = arith.constant 0 : i32
    %dma_wait3A_127 = tpu.memref_slice %arg4[%mul3A_2, %dma_wait3A_126] : memref<204800x128xf32, #tpu.memory_space<hbm>> -> memref<64x128xf32, #tpu.memory_space<hbm>>
    %dma_wait3A_128 = arith.constant 0 : i32
    %dma_wait3A_129 = tpu.memref_slice %arg4[%mul3A_2, %dma_wait3A_128] : memref<204800x128xf32, #tpu.memory_space<hbm>> -> memref<64x128xf32, #tpu.memory_space<hbm>>
    %dma_wait3A_130 = arith.constant 0 : i32
    %dma_wait3A_131 = arith.constant 0 : i32
    %dma_wait3A_132 = tpu.memref_slice %arg6[%dma_wait3A_121, %dma_wait3A_130, %dma_wait3A_131] : memref<10x64x128xf32, #tpu.memory_space<vmem>> -> memref<1x64x128xf32, #tpu.memory_space<vmem>>
    %dma_wait3A_133 = tpu.memref_squeeze %dma_wait3A_132 : memref<1x64x128xf32, #tpu.memory_space<vmem>> -> memref<64x128xf32, #tpu.memory_space<vmem>>
    tpu.wait_dma2 semaphore(%arg22 : memref<!tpu.dma_semaphore, #tpu.memory_space<semaphore_mem>>) src(%dma_wait3A_133 : memref<64x128xf32, #tpu.memory_space<vmem>>) dst(%dma_wait3A_129 : memref<64x128xf32, #tpu.memory_space<hbm>>)
    %dma_wait3A_134 = arith.constant 6 : i32
    %dma_wait3A_135 = arith.constant 0 : i32
    %dma_wait3A_136 = arith.constant 0 : i32
    %dma_wait3A_137 = tpu.memref_slice %arg6[%dma_wait3A_134, %dma_wait3A_135, %dma_wait3A_136] : memref<10x64x128xf32, #tpu.memory_space<vmem>> -> memref<1x64x128xf32, #tpu.memory_space<vmem>>
    %dma_wait3A_138 = tpu.memref_squeeze %dma_wait3A_137 : memref<1x64x128xf32, #tpu.memory_space<vmem>> -> memref<64x128xf32, #tpu.memory_space<vmem>>
    %dma_wait3A_139 = arith.constant 0 : i32
    %dma_wait3A_140 = tpu.memref_slice %arg4[%mul3A_2, %dma_wait3A_139] : memref<204800x128xf32, #tpu.memory_space<hbm>> -> memref<64x128xf32, #tpu.memory_space<hbm>>
    %dma_wait3A_141 = arith.constant 0 : i32
    %dma_wait3A_142 = tpu.memref_slice %arg4[%mul3A_2, %dma_wait3A_141] : memref<204800x128xf32, #tpu.memory_space<hbm>> -> memref<64x128xf32, #tpu.memory_space<hbm>>
    %dma_wait3A_143 = arith.constant 0 : i32
    %dma_wait3A_144 = arith.constant 0 : i32
    %dma_wait3A_145 = tpu.memref_slice %arg6[%dma_wait3A_134, %dma_wait3A_143, %dma_wait3A_144] : memref<10x64x128xf32, #tpu.memory_space<vmem>> -> memref<1x64x128xf32, #tpu.memory_space<vmem>>
    %dma_wait3A_146 = tpu.memref_squeeze %dma_wait3A_145 : memref<1x64x128xf32, #tpu.memory_space<vmem>> -> memref<64x128xf32, #tpu.memory_space<vmem>>
    tpu.wait_dma2 semaphore(%arg23 : memref<!tpu.dma_semaphore, #tpu.memory_space<semaphore_mem>>) src(%dma_wait3A_146 : memref<64x128xf32, #tpu.memory_space<vmem>>) dst(%dma_wait3A_142 : memref<64x128xf32, #tpu.memory_space<hbm>>)
    %dma_wait3A_147 = arith.constant 7 : i32
    %dma_wait3A_148 = arith.constant 0 : i32
    %dma_wait3A_149 = arith.constant 0 : i32
    %dma_wait3A_150 = tpu.memref_slice %arg6[%dma_wait3A_147, %dma_wait3A_148, %dma_wait3A_149] : memref<10x64x128xf32, #tpu.memory_space<vmem>> -> memref<1x64x128xf32, #tpu.memory_space<vmem>>
    %dma_wait3A_151 = tpu.memref_squeeze %dma_wait3A_150 : memref<1x64x128xf32, #tpu.memory_space<vmem>> -> memref<64x128xf32, #tpu.memory_space<vmem>>
    %dma_wait3A_152 = arith.constant 0 : i32
    %dma_wait3A_153 = tpu.memref_slice %arg4[%mul3A_2, %dma_wait3A_152] : memref<204800x128xf32, #tpu.memory_space<hbm>> -> memref<64x128xf32, #tpu.memory_space<hbm>>
    %dma_wait3A_154 = arith.constant 0 : i32
    %dma_wait3A_155 = tpu.memref_slice %arg4[%mul3A_2, %dma_wait3A_154] : memref<204800x128xf32, #tpu.memory_space<hbm>> -> memref<64x128xf32, #tpu.memory_space<hbm>>
    %dma_wait3A_156 = arith.constant 0 : i32
    %dma_wait3A_157 = arith.constant 0 : i32
    %dma_wait3A_158 = tpu.memref_slice %arg6[%dma_wait3A_147, %dma_wait3A_156, %dma_wait3A_157] : memref<10x64x128xf32, #tpu.memory_space<vmem>> -> memref<1x64x128xf32, #tpu.memory_space<vmem>>
    %dma_wait3A_159 = tpu.memref_squeeze %dma_wait3A_158 : memref<1x64x128xf32, #tpu.memory_space<vmem>> -> memref<64x128xf32, #tpu.memory_space<vmem>>
    tpu.wait_dma2 semaphore(%arg24 : memref<!tpu.dma_semaphore, #tpu.memory_space<semaphore_mem>>) src(%dma_wait3A_159 : memref<64x128xf32, #tpu.memory_space<vmem>>) dst(%dma_wait3A_155 : memref<64x128xf32, #tpu.memory_space<hbm>>)
    %dma_wait3A_160 = arith.constant 8 : i32
    %dma_wait3A_161 = arith.constant 0 : i32
    %dma_wait3A_162 = arith.constant 0 : i32
    %dma_wait3A_163 = tpu.memref_slice %arg6[%dma_wait3A_160, %dma_wait3A_161, %dma_wait3A_162] : memref<10x64x128xf32, #tpu.memory_space<vmem>> -> memref<1x64x128xf32, #tpu.memory_space<vmem>>
    %dma_wait3A_164 = tpu.memref_squeeze %dma_wait3A_163 : memref<1x64x128xf32, #tpu.memory_space<vmem>> -> memref<64x128xf32, #tpu.memory_space<vmem>>
    %dma_wait3A_165 = arith.constant 0 : i32
    %dma_wait3A_166 = tpu.memref_slice %arg4[%mul3A_2, %dma_wait3A_165] : memref<204800x128xf32, #tpu.memory_space<hbm>> -> memref<64x128xf32, #tpu.memory_space<hbm>>
    %dma_wait3A_167 = arith.constant 0 : i32
    %dma_wait3A_168 = tpu.memref_slice %arg4[%mul3A_2, %dma_wait3A_167] : memref<204800x128xf32, #tpu.memory_space<hbm>> -> memref<64x128xf32, #tpu.memory_space<hbm>>
    %dma_wait3A_169 = arith.constant 0 : i32
    %dma_wait3A_170 = arith.constant 0 : i32
    %dma_wait3A_171 = tpu.memref_slice %arg6[%dma_wait3A_160, %dma_wait3A_169, %dma_wait3A_170] : memref<10x64x128xf32, #tpu.memory_space<vmem>> -> memref<1x64x128xf32, #tpu.memory_space<vmem>>
    %dma_wait3A_172 = tpu.memref_squeeze %dma_wait3A_171 : memref<1x64x128xf32, #tpu.memory_space<vmem>> -> memref<64x128xf32, #tpu.memory_space<vmem>>
    tpu.wait_dma2 semaphore(%arg25 : memref<!tpu.dma_semaphore, #tpu.memory_space<semaphore_mem>>) src(%dma_wait3A_172 : memref<64x128xf32, #tpu.memory_space<vmem>>) dst(%dma_wait3A_168 : memref<64x128xf32, #tpu.memory_space<hbm>>)
    %dma_wait3A_173 = arith.constant 9 : i32
    %dma_wait3A_174 = arith.constant 0 : i32
    %dma_wait3A_175 = arith.constant 0 : i32
    %dma_wait3A_176 = tpu.memref_slice %arg6[%dma_wait3A_173, %dma_wait3A_174, %dma_wait3A_175] : memref<10x64x128xf32, #tpu.memory_space<vmem>> -> memref<1x64x128xf32, #tpu.memory_space<vmem>>
    %dma_wait3A_177 = tpu.memref_squeeze %dma_wait3A_176 : memref<1x64x128xf32, #tpu.memory_space<vmem>> -> memref<64x128xf32, #tpu.memory_space<vmem>>
    %dma_wait3A_178 = arith.constant 0 : i32
    %dma_wait3A_179 = tpu.memref_slice %arg4[%mul3A_2, %dma_wait3A_178] : memref<204800x128xf32, #tpu.memory_space<hbm>> -> memref<64x128xf32, #tpu.memory_space<hbm>>
    %dma_wait3A_180 = arith.constant 0 : i32
    %dma_wait3A_181 = tpu.memref_slice %arg4[%mul3A_2, %dma_wait3A_180] : memref<204800x128xf32, #tpu.memory_space<hbm>> -> memref<64x128xf32, #tpu.memory_space<hbm>>
    %dma_wait3A_182 = arith.constant 0 : i32
    %dma_wait3A_183 = arith.constant 0 : i32
    %dma_wait3A_184 = tpu.memref_slice %arg6[%dma_wait3A_173, %dma_wait3A_182, %dma_wait3A_183] : memref<10x64x128xf32, #tpu.memory_space<vmem>> -> memref<1x64x128xf32, #tpu.memory_space<vmem>>
    %dma_wait3A_185 = tpu.memref_squeeze %dma_wait3A_184 : memref<1x64x128xf32, #tpu.memory_space<vmem>> -> memref<64x128xf32, #tpu.memory_space<vmem>>
    tpu.wait_dma2 semaphore(%arg26 : memref<!tpu.dma_semaphore, #tpu.memory_space<semaphore_mem>>) src(%dma_wait3A_185 : memref<64x128xf32, #tpu.memory_space<vmem>>) dst(%dma_wait3A_181 : memref<64x128xf32, #tpu.memory_space<hbm>>)
    return
  }
}

</mosaic_0001>

<sc_bundles>
// kernel: kernel.3.cloned.1.call-start
scs
__scs_entry_jumppad:
0x0: {  	(pc) =	sbr.rel $0x88, $3  }
0x1: {  	(tag) =	ssettag $0x0;
	lr =	simm.s32 $0x1  }
0x2: {  	[smem:$0x3F9F] =	sst lr;
	_ =	strace $0xD0000000  }
0x3: {  	_ = 	snop  }
0x4: {  	_ = 	snop  }
0x5: {  	_ = 	snop  }
0x6: {  	_ = 	snop  }
0x7: {  	_ = 	snop  }
__scs_overlays_trampoline_lowered:
0x8: {  	[smem:$0x3FAE] =	sst s0  }
0x9: {  	[smem:$0x3FAF] =	sst s1  }
0xa: {  	[smem:$0x3FB0] =	sst s2  }
0xb: {  	[smem:$0x3FB1] =	sst s3  }
0xc: {  	[smem:$0x3FB2] =	sst s4  }
0xd: {  	[smem:$0x3FB3] =	sst s5  }
0xe: {  	[smem:$0x3FB4] =	sst s6  }
0xf: {  	[smem:$0x3FB5] =	sst s7  }
0x10: {  	[smem:$0x3FB6] =	sst s8  }
0x11: {  	[smem:$0x3FB7] =	sst s9;
	s0 =	simm.s32 @!p0 $0x0  }
0x12: {  	s1 =	sld [smem:$0x3F9D];
	s0 =	simm.s32 @p0 $0x1  }
0x13: {  	[smem:$0x3FB8] =	sst s0;
	s0 =	simm.s32 @!p1 $0x0  }
0x14: {  	s2 =	sld [smem:$0x3F9C];
	s0 =	simm.s32 @p1 $0x1  }
0x15: {  	[smem:$0x3FB9] =	sst s0;
	s0 =	simm.s32 @!p2 $0x0  }
0x16: {  	s3 =	sld [smem:$0x3FDB];
	s0 =	simm.s32 @p2 $0x1  }
0x17: {  	s4 =	simm.s32 $0x1BF5;
	[smem:$0x3FBB] =	sst s0  }
0x18: {  	s0 =	sld [smem:$0x3F9E];
	_ =	swait.ge [sflag:s4], $0x0  }
0x19: {  	s7 =	sld [smem:$0x3F9F]  }
0x1a: {  	s8 =	sadd.s32 $0xFFFFE003, lr  }
0x1b: {  	s9 =	sadd.s32 $0xFFFFFEF7, lr;
	s5 =	simm.s32 $0xFFFFFFFF;
	p2 =	slt.u32 s8, $0xFFFFF086  }
0x1c: {  	p1 =	slt.u32 s9, $0xF7A;
	s5 =	simm.s32 @!p2 $0x0  }
0x1d: {  	s5 =	simm.s32 @p1 $0x1;
	p0 =	seq.s32 s7, s2  }
0x1e: {  	s7 =	smul.u32 @!p0 $0xF7A, s2;
	p2 =	seq.s32 @!p0 s5, $0x0  }
0x1f: {  	s9 =	smul.u32 $0xF7A, s1;
	s8 =	simm.s32 @!p0 $0x1BF5;
	p2 =	por !p2, p0  }
0x20: {  	[sflag:s8] =	ssyncset.s32 @!p0 $0xFFFFF086;
	s6 =	sadd.s32 @!p0 s3, s7;
	s7 =	simm.s32 @!p0 $0x108  }
0x21: {  	s3 =	sadd.s32 s3, s9;
	s6 =	sadd.s32 @!p0 $0x88, s6;
	s7 =	simm.s32 @p2 $0x1082  }
0x22: {  	[simem:s7], [sflag:s8] =	dma.local @!p0 [hbm:s6], $0xF7A  }
0x23: {  	s9 =	sor.u32 $0xD0000000, s2;
	s6 =	simm.s32 $0x108;
	_ =	swait.ge @!p0 [sflag:s8], $0x0  }
0x24: {  	s3 =	sadd.s32 $0x88, s3;
	s6 =	simm.s32 @!p1 $0x1082;
	[sflag:s4] =	ssyncset.s32 $0xFFFFF086  }
0x25: {  	[simem:s6], [sflag:s4] =	dma.local [hbm:s3], $0xF7A  }
0x26: {  	[smem:$0x3F9F] =	sst s1;
	(tag) =	ssettag s2;
	_ =	strace s9  }
0x27: {  	s1 =	sld [smem:$0x3FAF]  }
0x28: {  	s2 =	sld [smem:$0x3FB0]  }
0x29: {  	s4 =	sld [smem:$0x3FB2]  }
0x2a: {  	p0 =	seq.s32 s5, $0x0;
	s5 =	sld [smem:$0x3FB3]  }
0x2b: {  	s6 =	sld [smem:$0x3FB4]  }
0x2c: {  	s7 =	sld [smem:$0x3FB5]  }
0x2d: {  	s3 =	simm.s32 $0x108;
	s8 =	sld [smem:$0x3FB6]  }
0x2e: {  	s3 =	simm.s32 @!p0 $0x1082;
	s9 =	sld [smem:$0x3FB7]  }
0x2f: {  	lr =	sadd.s32 s0, s3;
	s0 =	sld [smem:$0x3FAE]  }
0x30: {  	s3 =	sld [smem:$0x3FB1]  }
0x31: {  	[smem:$0x3FBA] =	sst s10  }
0x32: {  	s10 =	sld [smem:$0x3FB8];
	_ =	sdelay $0x3  }
0x33: {  	p0 =	seq.s32 s10, $0x1;
	s10 =	sld [smem:$0x3FBA];
	_ =	sdelay $0x3  }
0x34: {  	[smem:$0x3FBA] =	sst s10  }
0x35: {  	s10 =	sld [smem:$0x3FB9];
	_ =	sdelay $0x3  }
0x36: {  	p1 =	seq.s32 s10, $0x1;
	s10 =	sld [smem:$0x3FBA];
	_ =	sdelay $0x3  }
0x37: {  	[smem:$0x3FBA] =	sst s10  }
0x38: {  	s10 =	sld [smem:$0x3FBB]  }
0x39: {  	_ = 	snop;
	(pc) =	sbr.ind lr, $3  }
0x3a: {  	_ = 	snop  }
0x3b: {  	_ = 	snop  }
0x3c: {  	p2 =	seq.s32 s10, $0x1;
	s10 =	sld [smem:$0x3FBA]  }
0x3d: {  	_ =	shalt  }
0x3e: {  	_ =	shalt  }
0x3f: {  	_ =	shalt  }
0x40: {  	_ =	shalt  }
0x41: {  	_ =	shalt  }
0x42: {  	_ =	shalt  }
0x43: {  	_ =	shalt  }
0x44: {  	_ =	shalt  }
0x45: {  	_ =	shalt  }
0x46: {  	_ =	shalt  }
0x47: {  	_ =	shalt  }
0x48: {  	_ =	shalt  }
0x49: {  	_ =	shalt  }
0x4a: {  	_ =	shalt  }
0x4b: {  	_ =	shalt  }
0x4c: {  	_ =	shalt  }
0x4d: {  	_ =	shalt  }
0x4e: {  	_ =	shalt  }
0x4f: {  	_ =	shalt  }
0x50: {  	_ =	shalt  }
0x51: {  	_ =	shalt  }
0x52: {  	_ =	shalt  }
0x53: {  	_ =	shalt  }
0x54: {  	_ =	shalt  }
0x55: {  	_ =	shalt  }
0x56: {  	_ =	shalt  }
0x57: {  	_ =	shalt  }
0x58: {  	_ =	shalt  }
0x59: {  	_ =	shalt  }
0x5a: {  	_ =	shalt  }
0x5b: {  	_ =	shalt  }
0x5c: {  	_ =	shalt  }
0x5d: {  	_ =	shalt  }
0x5e: {  	_ =	shalt  }
0x5f: {  	_ =	shalt  }
0x60: {  	_ =	shalt  }
0x61: {  	_ =	shalt  }
0x62: {  	_ =	shalt  }
0x63: {  	_ =	shalt  }
0x64: {  	_ =	shalt  }
0x65: {  	_ =	shalt  }
0x66: {  	_ =	shalt  }
0x67: {  	_ =	shalt  }
0x68: {  	_ =	shalt  }
0x69: {  	_ =	shalt  }
0x6a: {  	_ =	shalt  }
0x6b: {  	_ =	shalt  }
0x6c: {  	_ =	shalt  }
0x6d: {  	_ =	shalt  }
0x6e: {  	_ =	shalt  }
0x6f: {  	_ =	shalt  }
0x70: {  	_ =	shalt  }
0x71: {  	_ =	shalt  }
0x72: {  	_ =	shalt  }
0x73: {  	_ =	shalt  }
0x74: {  	_ =	shalt  }
0x75: {  	_ =	shalt  }
0x76: {  	_ =	shalt  }
0x77: {  	_ =	shalt  }
0x78: {  	_ =	shalt  }
0x79: {  	_ =	shalt  }
0x7a: {  	_ =	shalt  }
0x7b: {  	_ =	shalt  }
0x7c: {  	_ =	shalt  }
0x7d: {  	_ =	shalt  }
0x7e: {  	_ =	shalt  }
0x7f: {  	_ =	shalt  }
0x80: {  	_ =	shalt  }
0x81: {  	_ =	shalt  }
0x82: {  	_ =	shalt  }
0x83: {  	_ =	shalt  }
0x84: {  	_ =	shalt  }
0x85: {  	_ =	shalt  }
0x86: {  	_ =	shalt  }
0x87: {  	_ =	shalt  }
.Lfunc_end0:
.L_simem_size_0:
called_computation_lowered:
.L_overlay_start_0:
0x88: {  	s2 =	sld [smem:$0x3FD9]  }
0x89: {  	s3 =	sld [smem:$0x3FFE];
	_ =	sdelay $0x1  }
0x8a: {  	s1 =	srdreg.scid  }
0x8b: {  	s0 =	sand.u32 $0x1, s1  }
0x8c: {  	s17 =	sshll.u32 s0, $0xA;
	s2 =	sadd.s32 s3, s2  }
0x8d: {  	s2 =	sadd.s32 s2, s17  }
0x8e: {  	[smem:$0x3FC6] =	sst s2  }
0x8f: {  	_ = 	snop  }
0x90: {  	s2 =	sld [smem:$0x3FC8]  }
0x91: {  	s18 =	sld [smem:$0x3FD0];
	(tm) =	ssettm $0x1  }
0x92: {  	s4 =	sld [smem:$0x3FFB];
	_ =	sdelay $0x3  }
0x93: {  	_ =	strace s4  }
0x94: {  	s4 =	sld [smem:$0x3FFC];
	_ =	sdelay $0x3  }
0x95: {  	_ =	strace s4  }
0x96: {  	s4 =	sld [smem:$0x3FFD];
	_ =	sdelay $0x3  }
0x97: {  	_ =	strace s4  }
0x98: {  	_ =	strace $0x8FFFFFFF  }
0x99: {  	s19 =	sld [smem:$0x3FDB];
	_ =	sdelay $0x1  }
0x9a: {  	s5 =	simm.s32 $_scs_section_size  }
0x9b: {  	s6 =	simm.s32 $_size__tile_overlayer_lowered;
	s7 =	simm.s32 $_tile_overlayer_lowered  }
0x9c: {  	s22 =	simm.s32 $0x1BFF;
	s21 =	sshll.u32 s7, $0x1;
	s4 =	sadd.s32 s5, s19  }
0x9d: {  	s8 =	simm.s32 $0x0;
	s20 =	sshll.u32 s6, $0x1;
	s6 =	sadd.s32 s21, s4  }
0x9e: {  	[timem:s8], [sflag:s22] =	dma.local [hbm:s6], s20  }
0x9f: {  	_ =	swait.ge [sflag:s22], s20  }
0xa0: {  	s5 =	ssub.s32 $0x0, s20;
	[sflag:s22] =	ssyncset.done $0x0  }
0xa1: {  	[sflag:s22] =	ssyncadd.s32 s5;
	_ =	sdelay $0x1  }
0xa2: {  	s23 =	simm.s32 $0x1B8B  }
0xa3: {  	_ =	swait.ge [sflag:s23], $0x1  }
0xa4: {  	[sflag:s23] =	ssyncset.done $0x0  }
0xa5: {  	s25 =	simm.s32 $0x1B8E;
	s24 =	sld [smem:$0x3FFE];
	[sflag:s23] =	ssyncadd.s32 $0xFFFFFFFF  }
0xa6: {  	s26 =	simm.s32 $execute0_lowered;
	[smem:$0x3FD2] =	sst s25  }
0xa7: {  	s6 =	sshll.u32 s26, $0x1;
	_ =	strace $0x80000046;
	[dreg:$0x1] =	wrdreg $0xFFFFFFFF  }
0xa8: {  	s28 =	simm.s32 $_size_execute0_lowered;
	s4 =	sadd.s32 s4, s6;
	[dreg:$0x0] =	wrdreg $0x0  }
0xa9: {  	s6 =	sshll.u32 s28, $0x1;
	[dreg:$0x2] =	wrdreg s4  }
0xaa: {  	[dreg:$0x3] =	wrdreg s6  }
0xab: {  	[dreg:$0x4] =	wrdreg $0xC0  }
0xac: {  	_ =	task [dreg:s8], $0x5FFFF  }
0xad: {  	[dreg:$0x1] =	wrdreg $0xFFFFFFFF  }
0xae: {  	[dreg:$0x0] =	wrdreg $0x60  }
0xaf: {  	[dreg:$0x2] =	wrdreg s2  }
0xb0: {  	[dreg:$0x3] =	wrdreg s24  }
0xb1: {  	[dreg:$0x4] =	wrdreg s18  }
0xb2: {  	[dreg:$0x5] =	wrdreg $0x9  }
0xb3: {  	_ =	task.clear_ibuf [dreg:s8], $0x6FFFF;
	_ =	strace $0x90000046  }
0xb4: {  	s29 =	simm.s32 $0x9;
	_ =	strace $0x80000048  }
0xb5: {  	_ =	swait.ge [sflag:s29], $0x1  }
0xb6: {  	[sflag:s29] =	ssyncadd.s32 $0xFFFFFFFF  }
0xb7: {  	_ =	strace $0x90000048  }
0xb8: {  	_ =	sfence  }
0xb9: {  	s30 =	sld [smem:$0x0];
	_ =	sdelay $0x2  }
0xba: {  	s31 =	sshll.u32 s1, $0xD;
	s1 =	sshrl.u32 s1, $0x2  }
0xbb: {  	s3 =	sand.u32 $0x4000, s31;
	s1 =	sadd.s32 s1, s30  }
0xbc: {  	s0 =	sor.u32 s3, s0;
	s1 =	sshll.u32 s1, $0x11  }
0xbd: {  	s0 =	sor.u32 s1, s0  }
0xbe: {  	s0 =	sadd.s32 $0x8F2B, s0  }
0xbf: {  	[sflag:s0] =	ssyncadd.remote.s32 $0x1  }
0xc0: {  	_ =	sfence.sel $0xFFFF  }
0xc1: {  	[dreg:$0x0] =	wrdreg $0xFFFFFFFF;
	(pc) =	sbr.abs _section_cstart, $3  }
0xc2: {  	[dreg:$0x1] =	wrdreg $0xFFFFFFFF  }
0xc3: {  	_ =	task.clear_ibuf [dreg:s8], $0x2FFFF;
	_ =	strace $0x9FFFFFFF  }
0xc4: {  	(tm) =	ssettm $0x7FFFFFFF  }
0xc5: {  	_ =	shalt  }
tec
execute0_lowered:
.L_overlay_start_1:
0x0: {  	(tag) =	ssettag $0x1  }
0x1: {  	s0 =	srdreg.scid;
	s2 =	rddreg [dreg:$0x0]  }
0x2: {  	s6 =	stileid.u32;
	s3 =	rddreg [dreg:$0x1]  }
0x3: {  	s4 =	simm.s32 $0x0;
	s15 =	simm.s32 $0x13900;
	s28 =	simm.s32 $0x6  }
0x4: {  	s29 =	simm.s32 $0x7;
	s30 =	simm.s32 $0x8;
	s5 =	smul.u32 $0x32000, s6  }
0x5: {  	s0 =	sand.u32 $0x1, s0;
	s1 =	sshll.u32 s6, $0x1;
	s6 =	smul.u32 $0x190000, s6  }
0x6: {  	s31 =	simm.s32 $0x9;
	[smem:$0x7FF] =	sst s4;
	s7 =	smul.u32 $0xC8000, s0  }
0x7: {  	s1 =	sor.u32 s0, s1;
	s8 =	smul.u32 $0x19000, s0;
	s0 =	ssub.s32 $0x2, s0  }
0x8: {  	_ =	strace $0x80000047;
	s1 =	smul.u32 $0x1900, s1;
	s19 =	sshrl.u32 s0, $0x1  }
0x9: {  	s18 =	sadd.s32 s7, s6;
	s5 =	sadd.s32 s8, s5;
	s0 =	ssub.s32 s0, s19  }
0xa: {  	s8 =	simm.s32 $0x40;
	s1 =	sshrl.u32 s1, $0x3;
	s7 =	sadd.s32 $0x12000, s18  }
0xb: {  	[dreg:$0x4] =	wrdreg s5;
	s21 =	sadd.s32 $0x10000, s18;
	s23 =	sadd.s32 $0xE000, s18  }
0xc: {  	s25 =	sadd.s32 $0xC000, s18;
	s0 =	smax.u32 s0, $0x1;
	s5 =	simm.s32 $0x0  }
0xd: {  	s1 =	sadd.s32 s1, s3;
	s20 =	sshrl.u32 s7, $0x3;
	[dreg:$0xb] =	wrdreg s0  }
0xe: {  	s22 =	sshrl.u32 s21, $0x3;
	s24 =	sshrl.u32 s23, $0x3;
	[dreg:$0x5] =	wrdreg s20  }
0xf: {  	s26 =	sshrl.u32 s25, $0x3;
	s3 =	sadd.s32 $0xA000, s18;
	[dreg:$0x6] =	wrdreg s22  }
0x10: {  	s21 =	simm.s32 $0xB900;
	s23 =	simm.s32 $0xD900;
	[dreg:$0x7] =	wrdreg s24  }
0x11: {  	s25 =	simm.s32 $0xF900;
	s18 =	simm.s32 $0x11900;
	[dreg:$0x8] =	wrdreg s26  }
0x12: {  	s3 =	sshrl.u32 s3, $0x3;
	s1 =	sadd.s32 $0x400, s1;
	s20 =	simm.s32 $0x2  }
0x13: {  	s22 =	simm.s32 $0x3;
	s24 =	simm.s32 $0x4;
	[dreg:$0xa] =	wrdreg s1  }
0x14: {  	s26 =	simm.s32 $0x5;
	[dreg:$0x9] =	wrdreg s3;
	s1 =	simm.s32 $0xA  }
.LBB2_1:
0x15: {  	[dreg:$0xc] =	wrdreg s5  }
0x16: {  	s0 =	rddreg [dreg:$0xa];
	s10 =	simm.s32 $0x15  }
0x17: {  	[tilespmem:s4], [sflag:$0x15] =	stream.linear.gather [hbm4b:s0+s4], $0x1900, $0x38;
	[tilespmem:$0x15900] =	vst v63  }
0x18: {  	_ =	swait.ge [sflag:s10], $0x1900  }
0x19: {  	[sflag:s10] =	ssyncset.done $0x0  }
0x1a: {  	s3 =	simm.s32 $0x1900;
	[sflag:s10] =	ssyncadd.s32 $0xFFFFE700  }
0x1b: {  	[tilespmem:s3], [sflag:$0x1] =	stream.indirect.gather [hbm4b:s2+s8], $0x80, s4, s8, $0xb8;
	[tilespmem:$0x15900] =	vst v63  }
0x1c: {  	s6 =	simm.s32 $0x3900  }
0x1d: {  	[tilespmem:s6], [sflag:$0x2] =	stream.indirect.gather [hbm4b:s2+s8], $0x80, s8, s8, $0xb8;
	[tilespmem:$0x15900] =	vst v63  }
0x1e: {  	s11 =	simm.s32 $0x80;
	s7 =	simm.s32 $0x5900;
	p0 =	por $0x1, $0x1  }
0x1f: {  	[tilespmem:s7], [sflag:$0x3] =	stream.indirect.gather [hbm4b:s2+s8], $0x80, s11, s8, $0xb8;
	[tilespmem:$0x15900] =	vst v63  }
0x20: {  	s12 =	simm.s32 $0xC0;
	s9 =	simm.s32 $0x7900;
	p0 =	por p0, p0  }
0x21: {  	[tilespmem:s9], [sflag:$0x4] =	stream.indirect.gather [hbm4b:s2+s8], $0x80, s12, s8, $0xb8;
	[tilespmem:$0x15900] =	vst v63  }
0x22: {  	s13 =	simm.s32 $0x100;
	s0 =	simm.s32 @!p0 $0x10;
	s11 =	simm.s32 $0x9900  }
0x23: {  	[tilespmem:s11], [sflag:$0x5] =	stream.indirect.gather [hbm4b:s2+s8], $0x80, s13, s8, $0xb8;
	[tilespmem:$0x15900] =	vst v63  }
0x24: {  	_ =	swait.ge @!p0 [sflag:s0], $0x2000  }
0x25: {  	s14 =	simm.s32 $0x140;
	[sflag:s0] =	ssyncset.done @!p0 $0x0  }
0x26: {  	s16 =	simm.s32 $0x1;
	s12 =	simm.s32 $0xB900;
	[sflag:s0] =	ssyncadd.s32 @!p0 $0xFFFFE000  }
0x27: {  	[tilespmem:s12], [sflag:$0x6] =	stream.indirect.gather [hbm4b:s2+s8], $0x80, s14, s8, $0xb8;
	[tilespmem:$0x15900] =	vst v63  }
0x28: {  	_ =	swait.ge [sflag:s16], $0x2000  }
0x29: {  	[sflag:s16] =	ssyncset.done $0x0  }
0x2a: {  	s17 =	rddreg [dreg:$0x4];
	[sflag:s16] =	ssyncadd.s32 $0xFFFFE000  }
0x2b: {  	s10 =	rddreg [dreg:$0x2]  }
0x2c: {  	p0 =	por $0x1, $0x1;
	s0 =	sadd.s32 s10, s17  }
0x2d: {  	[hbm4b:s0+s4] =	stream.linear.scatter [tilespmem:s3], [sflag:$0xB], $0x2000, $0x38;
	[tilespmem:$0x15900] =	vst v63  }
0x2e: {  	s3 =	simm.s32 @!p0 $0x11  }
0x2f: {  	_ =	swait.ge @!p0 [sflag:s3], $0x2000  }
0x30: {  	[sflag:s3] =	ssyncset.done @!p0 $0x0  }
0x31: {  	s19 =	simm.s32 $0x180;
	s13 =	simm.s32 $0xD900;
	[sflag:s3] =	ssyncadd.s32 @!p0 $0xFFFFE000  }
0x32: {  	[tilespmem:s13], [sflag:$0x7] =	stream.indirect.gather [hbm4b:s2+s8], $0x80, s19, s8, $0xb8;
	[tilespmem:$0x15900] =	vst v63  }
0x33: {  	_ =	swait.ge [sflag:s20], $0x2000  }
0x34: {  	[sflag:s20] =	ssyncset.done $0x0  }
0x35: {  	s5 =	simm.s32 @!p0 $0x12;
	s14 =	sadd.s32 $0x400, s0;
	[sflag:s20] =	ssyncadd.s32 $0xFFFFE000  }
0x36: {  	[hbm4b:s14+s4] =	stream.linear.scatter [tilespmem:s6], [sflag:$0xC], $0x2000, $0x38;
	[tilespmem:$0x15900] =	vst v63  }
0x37: {  	_ =	swait.ge @!p0 [sflag:s5], $0x2000  }
0x38: {  	[sflag:s5] =	ssyncset.done @!p0 $0x0  }
0x39: {  	s16 =	simm.s32 $0x1C0;
	s14 =	simm.s32 $0xF900;
	[sflag:s5] =	ssyncadd.s32 @!p0 $0xFFFFE000  }
0x3a: {  	[tilespmem:s14], [sflag:$0x8] =	stream.indirect.gather [hbm4b:s2+s8], $0x80, s16, s8, $0xb8;
	[tilespmem:$0x15900] =	vst v63  }
0x3b: {  	_ =	swait.ge [sflag:s22], $0x2000  }
0x3c: {  	p0 =	por $0x1, $0x1;
	[sflag:s22] =	ssyncset.done $0x0  }
0x3d: {  	s17 =	sadd.s32 $0x800, s0;
	s5 =	simm.s32 @!p0 $0x13;
	[sflag:s22] =	ssyncadd.s32 $0xFFFFE000  }
0x3e: {  	[hbm4b:s17+s4] =	stream.linear.scatter [tilespmem:s7], [sflag:$0xD], $0x2000, $0x38;
	[tilespmem:$0x15900] =	vst v63  }
0x3f: {  	_ =	swait.ge @!p0 [sflag:s5], $0x2000  }
0x40: {  	[sflag:s5] =	ssyncset.done @!p0 $0x0  }
0x41: {  	s19 =	simm.s32 $0x200;
	s7 =	simm.s32 $0x11900;
	[sflag:s5] =	ssyncadd.s32 @!p0 $0xFFFFE000  }
0x42: {  	[tilespmem:s7], [sflag:$0x9] =	stream.indirect.gather [hbm4b:s2+s8], $0x80, s19, s8, $0xb8;
	[tilespmem:$0x15900] =	vst v63  }
0x43: {  	_ =	swait.ge [sflag:s24], $0x2000  }
0x44: {  	[sflag:s24] =	ssyncset.done $0x0  }
0x45: {  	s6 =	sadd.s32 $0xC00, s0;
	s5 =	simm.s32 @!p0 $0x14;
	[sflag:s24] =	ssyncadd.s32 $0xFFFFE000  }
0x46: {  	[hbm4b:s6+s4] =	stream.linear.scatter [tilespmem:s9], [sflag:$0xE], $0x2000, $0x38;
	[tilespmem:$0x15900] =	vst v63  }
0x47: {  	_ =	swait.ge @!p0 [sflag:s5], $0x2000  }
0x48: {  	[sflag:s5] =	ssyncset.done @!p0 $0x0  }
0x49: {  	s9 =	simm.s32 $0x240;
	[sflag:s5] =	ssyncadd.s32 @!p0 $0xFFFFE000  }
0x4a: {  	[tilespmem:s15], [sflag:$0xA] =	stream.indirect.gather [hbm4b:s2+s8], $0x80, s9, s8, $0xb8;
	[tilespmem:$0x15900] =	vst v63  }
0x4b: {  	_ =	swait.ge [sflag:s26], $0x2000  }
0x4c: {  	p0 =	por $0x0, $0x0;
	[sflag:s26] =	ssyncset.done $0x0  }
0x4d: {  	s0 =	sadd.s32 $0x1000, s0;
	s3 =	simm.s32 @!p0 $0xB;
	[sflag:s26] =	ssyncadd.s32 $0xFFFFE000  }
0x4e: {  	[hbm4b:s0+s4] =	stream.linear.scatter [tilespmem:s11], [sflag:$0xF], $0x2000, $0x38;
	[tilespmem:$0x15900] =	vst v63  }
0x4f: {  	_ =	swait.ge @!p0 [sflag:s3], $0x2000  }
0x50: {  	s5 =	simm.s32 @!p0 $0x40;
	[sflag:s3] =	ssyncset.done @!p0 $0x0  }
0x51: {  	s6 =	simm.s32 @!p0 $0x1900;
	s0 =	simm.s32 @!p0 $0x280;
	[sflag:s3] =	ssyncadd.s32 @!p0 $0xFFFFE000  }
0x52: {  	[tilespmem:s6], [sflag:$0x1] =	stream.indirect.gather @!p0 [hbm4b:s2+s5], $0x80, s0, s5, $0xb8;
	[tilespmem:$0x15900] =	vst v63  }
0x53: {  	_ =	swait.ge [sflag:s28], $0x2000  }
0x54: {  	s15 =	rddreg [dreg:$0x9];
	[sflag:s28] =	ssyncset.done $0x0  }
0x55: {  	s3 =	simm.s32 @!p0 $0xC;
	[sflag:s28] =	ssyncadd.s32 $0xFFFFE000;
	s0 =	sadd.s32 s10, s15  }
0x56: {  	[hbm4b:s0+s4] =	stream.linear.scatter [tilespmem:s12], [sflag:$0x10], $0x2000, $0x38;
	[tilespmem:$0x15900] =	vst v63  }
0x57: {  	_ =	swait.ge @!p0 [sflag:s3], $0x2000  }
0x58: {  	[sflag:s3] =	ssyncset.done @!p0 $0x0  }
0x59: {  	s6 =	simm.s32 @!p0 $0x3900;
	s0 =	simm.s32 @!p0 $0x2C0;
	[sflag:s3] =	ssyncadd.s32 @!p0 $0xFFFFE000  }
0x5a: {  	[tilespmem:s6], [sflag:$0x2] =	stream.indirect.gather @!p0 [hbm4b:s2+s5], $0x80, s0, s5, $0xb8;
	[tilespmem:$0x15900] =	vst v63  }
0x5b: {  	_ =	swait.ge [sflag:s29], $0x2000  }
0x5c: {  	s16 =	rddreg [dreg:$0x8];
	[sflag:s29] =	ssyncset.done $0x0  }
0x5d: {  	s3 =	simm.s32 @!p0 $0xD;
	[sflag:s29] =	ssyncadd.s32 $0xFFFFE000;
	s0 =	sadd.s32 s10, s16  }
0x5e: {  	[hbm4b:s0+s4] =	stream.linear.scatter [tilespmem:s13], [sflag:$0x11], $0x2000, $0x38;
	[tilespmem:$0x15900] =	vst v63  }
0x5f: {  	_ =	swait.ge @!p0 [sflag:s3], $0x2000  }
0x60: {  	[sflag:s3] =	ssyncset.done @!p0 $0x0  }
0x61: {  	s6 =	simm.s32 @!p0 $0x5900;
	s0 =	simm.s32 @!p0 $0x300;
	[sflag:s3] =	ssyncadd.s32 @!p0 $0xFFFFE000  }
0x62: {  	[tilespmem:s6], [sflag:$0x3] =	stream.indirect.gather @!p0 [hbm4b:s2+s5], $0x80, s0, s5, $0xb8;
	[tilespmem:$0x15900] =	vst v63  }
0x63: {  	_ =	swait.ge [sflag:s30], $0x2000  }
0x64: {  	s17 =	rddreg [dreg:$0x7];
	[sflag:s30] =	ssyncset.done $0x0  }
0x65: {  	s3 =	simm.s32 @!p0 $0xE;
	[sflag:s30] =	ssyncadd.s32 $0xFFFFE000;
	s0 =	sadd.s32 s10, s17  }
0x66: {  	[hbm4b:s0+s4] =	stream.linear.scatter [tilespmem:s14], [sflag:$0x12], $0x2000, $0x38;
	[tilespmem:$0x15900] =	vst v63  }
0x67: {  	_ =	swait.ge @!p0 [sflag:s3], $0x2000  }
0x68: {  	[sflag:s3] =	ssyncset.done @!p0 $0x0  }
0x69: {  	s6 =	simm.s32 @!p0 $0x7900;
	s0 =	simm.s32 @!p0 $0x340;
	[sflag:s3] =	ssyncadd.s32 @!p0 $0xFFFFE000  }
0x6a: {  	[tilespmem:s6], [sflag:$0x4] =	stream.indirect.gather @!p0 [hbm4b:s2+s5], $0x80, s0, s5, $0xb8;
	[tilespmem:$0x15900] =	vst v63  }
0x6b: {  	_ =	swait.ge [sflag:s31], $0x2000  }
0x6c: {  	s19 =	rddreg [dreg:$0x6];
	[sflag:s31] =	ssyncset.done $0x0  }
0x6d: {  	s3 =	simm.s32 @!p0 $0xF;
	[sflag:s31] =	ssyncadd.s32 $0xFFFFE000;
	s0 =	sadd.s32 s10, s19  }
0x6e: {  	[hbm4b:s0+s4] =	stream.linear.scatter [tilespmem:s7], [sflag:$0x13], $0x2000, $0x38;
	[tilespmem:$0x15900] =	vst v63  }
0x6f: {  	p1 =	por $0x0, $0x0;
	s9 =	simm.s32 @!p0 $0x9900;
	_ =	swait.ge @!p0 [sflag:s3], $0x2000  }
0x70: {  	s11 =	simm.s32 $0x4;
	s13 =	simm.s32 $0x1400;
	[sflag:s3] =	ssyncset.done @!p0 $0x0  }
0x71: {  	s6 =	simm.s32 $0xA00;
	s7 =	simm.s32 @!p0 $0x380;
	[sflag:s3] =	ssyncadd.s32 @!p0 $0xFFFFE000  }
0x72: {  	[tilespmem:s9], [sflag:$0x5] =	stream.indirect.gather @!p0 [hbm4b:s2+s5], $0x80, s7, s5, $0xb8;
	[tilespmem:$0x15900] =	vst v63  }
0x73: {  	s0 =	simm.s32 $0x4;
	s3 =	smov.u32 s10;
	_ =	swait.ge [sflag:s1], $0x2000  }
0x74: {  	s7 =	simm.s32 $0x8;
	p0 =	por p1, p1;
	[sflag:s1] =	ssyncset.done $0x0  }
0x75: {  	s5 =	sadd.s32 $0x2800, s10;
	s9 =	rddreg [dreg:$0x5];
	[sflag:s1] =	ssyncadd.s32 $0xFFFFE000  }
.LBB2_2:
0x76: {  	s10 =	simm.s32 @!p0 $0x10;
	s9 =	sadd.s32 s3, s9;
	s19 =	simm.s32 $0x13900  }
0x77: {  	[hbm4b:s9+s4] =	stream.linear.scatter [tilespmem:s19], [sflag:$0x14], $0x2000, $0x38;
	[tilespmem:$0x15900] =	vst v63  }
0x78: {  	_ =	swait.ge @!p0 [sflag:s10], $0x2000  }
0x79: {  	s9 =	sshra.s32 s6, $0x2;
	[sflag:s10] =	ssyncset.done @!p0 $0x0  }
0x7a: {  	s0 =	sadd.s32 $0xA, s0;
	s16 =	sadd.s32 $0x140, s9;
	[sflag:s10] =	ssyncadd.s32 @!p0 $0xFFFFE000  }
0x7b: {  	[tilespmem:s21], [sflag:$0x6] =	stream.indirect.gather [hbm4b:s2+s8], $0x80, s16, s8, $0xb8;
	[tilespmem:$0x15900] =	vst v63  }
0x7c: {  	s14 =	sadd.s32 $0x2, s11;
	p2 =	sgt.u32 s0, $0x59;
	s16 =	simm.s32 $0x1  }
0x7d: {  	p0 =	por p2, p2;
	p2 =	sgt.u32 s14, $0x59;
	_ =	swait.ge [sflag:s16], $0x2000  }
0x7e: {  	s14 =	simm.s32 @!p2 $0x11;
	s17 =	rddreg [dreg:$0x4];
	[sflag:s16] =	ssyncset.done $0x0  }
0x7f: {  	[sflag:s16] =	ssyncadd.s32 $0xFFFFE000;
	s10 =	sadd.s32 s5, s17;
	s16 =	simm.s32 $0x1900  }
0x80: {  	[hbm4b:s10+s4] =	stream.linear.scatter [tilespmem:s16], [sflag:$0xB], $0x2000, $0x38;
	[tilespmem:$0x15900] =	vst v63  }
0x81: {  	_ =	swait.ge @!p2 [sflag:s14], $0x2000  }
0x82: {  	[sflag:s14] =	ssyncset.done @!p2 $0x0  }
0x83: {  	s17 =	sadd.s32 $0x180, s9;
	[sflag:s14] =	ssyncadd.s32 @!p2 $0xFFFFE000  }
0x84: {  	[tilespmem:s23], [sflag:$0x7] =	stream.indirect.gather [hbm4b:s2+s8], $0x80, s17, s8, $0xb8;
	[tilespmem:$0x15900] =	vst v63  }
0x85: {  	_ =	swait.ge [sflag:s20], $0x2000  }
0x86: {  	s16 =	simm.s32 @!p2 $0x12;
	[sflag:s20] =	ssyncset.done $0x0  }
0x87: {  	s14 =	sadd.s32 $0x400, s10;
	s17 =	simm.s32 $0x3900;
	[sflag:s20] =	ssyncadd.s32 $0xFFFFE000  }
0x88: {  	[hbm4b:s14+s4] =	stream.linear.scatter [tilespmem:s17], [sflag:$0xC], $0x2000, $0x38;
	[tilespmem:$0x15900] =	vst v63  }
0x89: {  	_ =	swait.ge @!p2 [sflag:s16], $0x2000  }
0x8a: {  	[sflag:s16] =	ssyncset.done @!p2 $0x0  }
0x8b: {  	s17 =	sadd.s32 $0x1C0, s9;
	[sflag:s16] =	ssyncadd.s32 @!p2 $0xFFFFE000  }
0x8c: {  	[tilespmem:s25], [sflag:$0x8] =	stream.indirect.gather [hbm4b:s2+s8], $0x80, s17, s8, $0xb8;
	[tilespmem:$0x15900] =	vst v63  }
0x8d: {  	_ =	swait.ge [sflag:s22], $0x2000  }
0x8e: {  	s14 =	sadd.s32 $0x800, s10;
	p2 =	sgt.u32 s7, $0x59;
	[sflag:s22] =	ssyncset.done $0x0  }
0x8f: {  	s16 =	simm.s32 @!p2 $0x13;
	s17 =	simm.s32 $0x5900;
	[sflag:s22] =	ssyncadd.s32 $0xFFFFE000  }
0x90: {  	[hbm4b:s14+s4] =	stream.linear.scatter [tilespmem:s17], [sflag:$0xD], $0x2000, $0x38;
	[tilespmem:$0x15900] =	vst v63  }
0x91: {  	_ =	swait.ge @!p2 [sflag:s16], $0x2000  }
0x92: {  	[sflag:s16] =	ssyncset.done @!p2 $0x0  }
0x93: {  	s14 =	sadd.s32 $0x200, s9;
	[sflag:s16] =	ssyncadd.s32 @!p2 $0xFFFFE000  }
0x94: {  	[tilespmem:s18], [sflag:$0x9] =	stream.indirect.gather [hbm4b:s2+s8], $0x80, s14, s8, $0xb8;
	[tilespmem:$0x15900] =	vst v63  }
0x95: {  	_ =	swait.ge [sflag:s24], $0x2000  }
0x96: {  	s17 =	simm.s32 $0x7900;
	[sflag:s24] =	ssyncset.done $0x0  }
0x97: {  	s16 =	sadd.s32 $0xC00, s10;
	s14 =	simm.s32 @!p2 $0x14;
	[sflag:s24] =	ssyncadd.s32 $0xFFFFE000  }
0x98: {  	[hbm4b:s16+s4] =	stream.linear.scatter [tilespmem:s17], [sflag:$0xE], $0x2000, $0x38;
	[tilespmem:$0x15900] =	vst v63  }
0x99: {  	_ =	swait.ge @!p2 [sflag:s14], $0x2000  }
0x9a: {  	[sflag:s14] =	ssyncset.done @!p2 $0x0  }
0x9b: {  	s12 =	sadd.s32 $0x4, s0;
	s9 =	sadd.s32 $0x240, s9;
	[sflag:s14] =	ssyncadd.s32 @!p2 $0xFFFFE000  }
0x9c: {  	[tilespmem:s19], [sflag:$0xA] =	stream.indirect.gather [hbm4b:s2+s8], $0x80, s9, s8, $0xb8;
	[tilespmem:$0x15900] =	vst v63  }
0x9d: {  	s15 =	smov.u32 s13;
	s7 =	smov.u32 s12;
	_ =	swait.ge [sflag:s26], $0x2000  }
0x9e: {  	s12 =	sadd.s32 $0x1000, s10;
	p2 =	seq.s32 s6, $0x5A00;
	[sflag:s26] =	ssyncset.done $0x0  }
0x9f: {  	s14 =	simm.s32 $0x9900;
	s10 =	simm.s32 @!p2 $0xB;
	[sflag:s26] =	ssyncadd.s32 $0xFFFFE000  }
0xa0: {  	[hbm4b:s12+s4] =	stream.linear.scatter [tilespmem:s14], [sflag:$0xF], $0x2000, $0x38;
	[tilespmem:$0x15900] =	vst v63  }
0xa1: {  	s6 =	sshra.s32 @!p2 s6, $0x2;
	s9 =	simm.s32 @!p2 $0x40;
	_ =	swait.ge @!p2 [sflag:s10], $0x2000  }
0xa2: {  	s17 =	simm.s32 @!p2 $0x1900;
	s16 =	sadd.s32 @!p2 $0x2C0, s6;
	[sflag:s10] =	ssyncset.done @!p2 $0x0  }
0xa3: {  	s19 =	sadd.s32 @!p2 $0x300, s6;
	s14 =	sadd.s32 @!p2 $0x280, s6;
	[sflag:s10] =	ssyncadd.s32 @!p2 $0xFFFFE000  }
0xa4: {  	[tilespmem:s17], [sflag:$0x1] =	stream.indirect.gather @!p2 [hbm4b:s2+s9], $0x80, s14, s9, $0xb8;
	[tilespmem:$0x15900] =	vst v63  }
0xa5: {  	s12 =	sadd.s32 @!p2 $0x340, s6;
	s10 =	sadd.s32 @!p2 $0x380, s6;
	_ =	swait.ge [sflag:s28], $0x2000  }
0xa6: {  	s6 =	smov.u32 s15;
	s15 =	rddreg [dreg:$0x9];
	[sflag:s28] =	ssyncset.done $0x0  }
0xa7: {  	[sflag:s28] =	ssyncadd.s32 $0xFFFFE000;
	s14 =	sadd.s32 s5, s15;
	s15 =	simm.s32 @!p2 $0xC  }
0xa8: {  	[hbm4b:s14+s4] =	stream.linear.scatter [tilespmem:s21], [sflag:$0x10], $0x2000, $0x38;
	[tilespmem:$0x15900] =	vst v63  }
0xa9: {  	_ =	swait.ge @!p2 [sflag:s15], $0x2000  }
0xaa: {  	[sflag:s15] =	ssyncset.done @!p2 $0x0  }
0xab: {  	s14 =	simm.s32 @!p2 $0x3900;
	[sflag:s15] =	ssyncadd.s32 @!p2 $0xFFFFE000  }
0xac: {  	[tilespmem:s14], [sflag:$0x2] =	stream.indirect.gather @!p2 [hbm4b:s2+s9], $0x80, s16, s9, $0xb8;
	[tilespmem:$0x15900] =	vst v63  }
0xad: {  	_ =	swait.ge [sflag:s29], $0x2000  }
0xae: {  	s16 =	rddreg [dreg:$0x8];
	[sflag:s29] =	ssyncset.done $0x0  }
0xaf: {  	s15 =	simm.s32 @!p2 $0xD;
	[sflag:s29] =	ssyncadd.s32 $0xFFFFE000;
	s14 =	sadd.s32 s5, s16  }
0xb0: {  	[hbm4b:s14+s4] =	stream.linear.scatter [tilespmem:s23], [sflag:$0x11], $0x2000, $0x38;
	[tilespmem:$0x15900] =	vst v63  }
0xb1: {  	_ =	swait.ge @!p2 [sflag:s15], $0x2000  }
0xb2: {  	[sflag:s15] =	ssyncset.done @!p2 $0x0  }
0xb3: {  	s14 =	simm.s32 @!p2 $0x5900;
	[sflag:s15] =	ssyncadd.s32 @!p2 $0xFFFFE000  }
0xb4: {  	[tilespmem:s14], [sflag:$0x3] =	stream.indirect.gather @!p2 [hbm4b:s2+s9], $0x80, s19, s9, $0xb8;
	[tilespmem:$0x15900] =	vst v63  }
0xb5: {  	_ =	swait.ge [sflag:s30], $0x2000  }
0xb6: {  	s17 =	rddreg [dreg:$0x7];
	[sflag:s30] =	ssyncset.done $0x0  }
0xb7: {  	s15 =	simm.s32 @!p2 $0xE;
	[sflag:s30] =	ssyncadd.s32 $0xFFFFE000;
	s14 =	sadd.s32 s5, s17  }
0xb8: {  	[hbm4b:s14+s4] =	stream.linear.scatter [tilespmem:s25], [sflag:$0x12], $0x2000, $0x38;
	[tilespmem:$0x15900] =	vst v63  }
0xb9: {  	_ =	swait.ge @!p2 [sflag:s15], $0x2000  }
0xba: {  	[sflag:s15] =	ssyncset.done @!p2 $0x0  }
0xbb: {  	s14 =	simm.s32 @!p2 $0x7900;
	[sflag:s15] =	ssyncadd.s32 @!p2 $0xFFFFE000  }
0xbc: {  	[tilespmem:s14], [sflag:$0x4] =	stream.indirect.gather @!p2 [hbm4b:s2+s9], $0x80, s12, s9, $0xb8;
	[tilespmem:$0x15900] =	vst v63  }
0xbd: {  	_ =	swait.ge [sflag:s31], $0x2000  }
0xbe: {  	s19 =	rddreg [dreg:$0x6];
	[sflag:s31] =	ssyncset.done $0x0  }
0xbf: {  	s14 =	simm.s32 @!p2 $0xF;
	[sflag:s31] =	ssyncadd.s32 $0xFFFFE000;
	s12 =	sadd.s32 s5, s19  }
0xc0: {  	[hbm4b:s12+s4] =	stream.linear.scatter [tilespmem:s18], [sflag:$0x13], $0x2000, $0x38;
	[tilespmem:$0x15900] =	vst v63  }
0xc1: {  	s13 =	sadd.s32 $0xA00, s13;
	_ =	swait.ge @!p2 [sflag:s14], $0x2000  }
0xc2: {  	p1 =	sne.s32 s13, $0x6400;
	[sflag:s14] =	ssyncset.done @!p2 $0x0  }
.Ltmp0:
0xc3: {  	s12 =	simm.s32 @!p2 $0x9900;
	[sflag:s14] =	ssyncadd.s32 @!p2 $0xFFFFE000;
	(pc) =	sbr.rel @p1 .LBB2_2-.Ltmp0, $4  }
0xc4: {  	[tilespmem:s12], [sflag:$0x5] =	stream.indirect.gather @!p2 [hbm4b:s2+s9], $0x80, s10, s9, $0xb8;
	[tilespmem:$0x15900] =	vst v63  }
0xc5: {  	_ =	swait.ge [sflag:s1], $0x2000  }
0xc6: {  	s3 =	smov.u32 s5;
	s11 =	smov.u32 s0;
	[sflag:s1] =	ssyncset.done $0x0  }
0xc7: {  	s5 =	sadd.s32 $0x2800, s5;
	s9 =	rddreg [dreg:$0x5];
	[sflag:s1] =	ssyncadd.s32 $0xFFFFE000  }
0xc8: {  	s0 =	sadd.s32 s3, s9;
	s3 =	simm.s32 @!p0 $0x10;
	s14 =	simm.s32 $0x13900  }
0xc9: {  	[hbm4b:s0+s4] =	stream.linear.scatter [tilespmem:s14], [sflag:$0x14], $0x2000, $0x38;
	[tilespmem:$0x15900] =	vst v63  }
0xca: {  	_ =	swait.ge @!p0 [sflag:s3], $0x2000  }
0xcb: {  	s12 =	simm.s32 $0xB900;
	s0 =	sshra.s32 s6, $0x2;
	[sflag:s3] =	ssyncset.done @!p0 $0x0  }
0xcc: {  	s10 =	simm.s32 $0x1;
	s19 =	sadd.s32 $0x140, s0;
	[sflag:s3] =	ssyncadd.s32 @!p0 $0xFFFFE000  }
0xcd: {  	[tilespmem:s12], [sflag:$0x6] =	stream.indirect.gather [hbm4b:s2+s8], $0x80, s19, s8, $0xb8;
	[tilespmem:$0x15900] =	vst v63  }
0xce: {  	s11 =	sadd.s32 $0x2, s11;
	s13 =	simm.s32 $0x1900;
	_ =	swait.ge [sflag:s10], $0x2000  }
0xcf: {  	p0 =	sgt.u32 s11, $0x59;
	s9 =	rddreg [dreg:$0x4];
	[sflag:s10] =	ssyncset.done $0x0  }
0xd0: {  	[sflag:s10] =	ssyncadd.s32 $0xFFFFE000;
	s3 =	sadd.s32 s5, s9;
	s9 =	simm.s32 @!p0 $0x11  }
0xd1: {  	[hbm4b:s3+s4] =	stream.linear.scatter [tilespmem:s13], [sflag:$0xB], $0x2000, $0x38;
	[tilespmem:$0x15900] =	vst v63  }
0xd2: {  	_ =	swait.ge @!p0 [sflag:s9], $0x2000  }
0xd3: {  	[sflag:s9] =	ssyncset.done @!p0 $0x0  }
0xd4: {  	s15 =	sadd.s32 $0x180, s0;
	s11 =	simm.s32 $0xD900;
	[sflag:s9] =	ssyncadd.s32 @!p0 $0xFFFFE000  }
0xd5: {  	[tilespmem:s11], [sflag:$0x7] =	stream.indirect.gather [hbm4b:s2+s8], $0x80, s15, s8, $0xb8;
	[tilespmem:$0x15900] =	vst v63  }
0xd6: {  	_ =	swait.ge [sflag:s20], $0x2000  }
0xd7: {  	s17 =	simm.s32 $0x3900;
	[sflag:s20] =	ssyncset.done $0x0  }
0xd8: {  	s16 =	sadd.s32 $0x400, s3;
	s9 =	simm.s32 @!p0 $0x12;
	[sflag:s20] =	ssyncadd.s32 $0xFFFFE000  }
0xd9: {  	[hbm4b:s16+s4] =	stream.linear.scatter [tilespmem:s17], [sflag:$0xC], $0x2000, $0x38;
	[tilespmem:$0x15900] =	vst v63  }
0xda: {  	_ =	swait.ge @!p0 [sflag:s9], $0x2000  }
0xdb: {  	[sflag:s9] =	ssyncset.done @!p0 $0x0  }
0xdc: {  	s19 =	sadd.s32 $0x1C0, s0;
	s10 =	simm.s32 $0xF900;
	[sflag:s9] =	ssyncadd.s32 @!p0 $0xFFFFE000  }
0xdd: {  	[tilespmem:s10], [sflag:$0x8] =	stream.indirect.gather [hbm4b:s2+s8], $0x80, s19, s8, $0xb8;
	[tilespmem:$0x15900] =	vst v63  }
0xde: {  	_ =	swait.ge [sflag:s22], $0x2000  }
0xdf: {  	s13 =	sadd.s32 $0x800, s3;
	p0 =	sgt.u32 s7, $0x59;
	[sflag:s22] =	ssyncset.done $0x0  }
0xe0: {  	s15 =	simm.s32 $0x5900;
	s7 =	simm.s32 @!p0 $0x13;
	[sflag:s22] =	ssyncadd.s32 $0xFFFFE000  }
0xe1: {  	[hbm4b:s13+s4] =	stream.linear.scatter [tilespmem:s15], [sflag:$0xD], $0x2000, $0x38;
	[tilespmem:$0x15900] =	vst v63  }
0xe2: {  	_ =	swait.ge @!p0 [sflag:s7], $0x2000  }
0xe3: {  	[sflag:s7] =	ssyncset.done @!p0 $0x0  }
0xe4: {  	s16 =	sadd.s32 $0x200, s0;
	s13 =	simm.s32 $0x11900;
	[sflag:s7] =	ssyncadd.s32 @!p0 $0xFFFFE000  }
0xe5: {  	[tilespmem:s13], [sflag:$0x9] =	stream.indirect.gather [hbm4b:s2+s8], $0x80, s16, s8, $0xb8;
	[tilespmem:$0x15900] =	vst v63  }
0xe6: {  	_ =	swait.ge [sflag:s24], $0x2000  }
0xe7: {  	s17 =	sadd.s32 $0xC00, s3;
	[sflag:s24] =	ssyncset.done $0x0  }
0xe8: {  	s19 =	simm.s32 $0x7900;
	s7 =	simm.s32 @!p0 $0x14;
	[sflag:s24] =	ssyncadd.s32 $0xFFFFE000  }
0xe9: {  	[hbm4b:s17+s4] =	stream.linear.scatter [tilespmem:s19], [sflag:$0xE], $0x2000, $0x38;
	[tilespmem:$0x15900] =	vst v63  }
0xea: {  	_ =	swait.ge @!p0 [sflag:s7], $0x2000  }
0xeb: {  	[sflag:s7] =	ssyncset.done @!p0 $0x0  }
0xec: {  	s0 =	sadd.s32 $0x240, s0;
	[sflag:s7] =	ssyncadd.s32 @!p0 $0xFFFFE000  }
0xed: {  	[tilespmem:s14], [sflag:$0xA] =	stream.indirect.gather [hbm4b:s2+s8], $0x80, s0, s8, $0xb8;
	[tilespmem:$0x15900] =	vst v63  }
0xee: {  	_ =	swait.ge [sflag:s26], $0x2000  }
0xef: {  	s9 =	simm.s32 $0x9900;
	p0 =	seq.s32 s6, $0x5A00;
	[sflag:s26] =	ssyncset.done $0x0  }
0xf0: {  	s7 =	sadd.s32 $0x1000, s3;
	s3 =	simm.s32 @!p0 $0xB;
	[sflag:s26] =	ssyncadd.s32 $0xFFFFE000  }
0xf1: {  	[hbm4b:s7+s4] =	stream.linear.scatter [tilespmem:s9], [sflag:$0xF], $0x2000, $0x38;
	[tilespmem:$0x15900] =	vst v63  }
0xf2: {  	s0 =	sshra.s32 @!p0 s6, $0x2;
	_ =	swait.ge @!p0 [sflag:s3], $0x2000  }
0xf3: {  	s6 =	sadd.s32 @!p0 $0x280, s0;
	[sflag:s3] =	ssyncset.done @!p0 $0x0  }
0xf4: {  	s7 =	simm.s32 @!p0 $0x40;
	[sflag:s3] =	ssyncadd.s32 @!p0 $0xFFFFE000;
	s3 =	simm.s32 @!p0 $0x1900  }
0xf5: {  	[tilespmem:s3], [sflag:$0x1] =	stream.indirect.gather @!p0 [hbm4b:s2+s7], $0x80, s6, s7, $0xb8;
	[tilespmem:$0x15900] =	vst v63  }
0xf6: {  	_ =	swait.ge [sflag:s28], $0x2000  }
0xf7: {  	s15 =	rddreg [dreg:$0x9];
	[sflag:s28] =	ssyncset.done $0x0  }
0xf8: {  	s6 =	simm.s32 @!p0 $0xC;
	[sflag:s28] =	ssyncadd.s32 $0xFFFFE000;
	s3 =	sadd.s32 s5, s15  }
0xf9: {  	[hbm4b:s3+s4] =	stream.linear.scatter [tilespmem:s12], [sflag:$0x10], $0x2000, $0x38;
	[tilespmem:$0x15900] =	vst v63  }
0xfa: {  	_ =	swait.ge @!p0 [sflag:s6], $0x2000  }
0xfb: {  	[sflag:s6] =	ssyncset.done @!p0 $0x0  }
0xfc: {  	s3 =	sadd.s32 @!p0 $0x2C0, s0;
	[sflag:s6] =	ssyncadd.s32 @!p0 $0xFFFFE000;
	s6 =	simm.s32 @!p0 $0x3900  }
0xfd: {  	[tilespmem:s6], [sflag:$0x2] =	stream.indirect.gather @!p0 [hbm4b:s2+s7], $0x80, s3, s7, $0xb8;
	[tilespmem:$0x15900] =	vst v63  }
0xfe: {  	_ =	swait.ge [sflag:s29], $0x2000  }
0xff: {  	s16 =	rddreg [dreg:$0x8];
	[sflag:s29] =	ssyncset.done $0x0  }
0x100: {  	s6 =	simm.s32 @!p0 $0xD;
	[sflag:s29] =	ssyncadd.s32 $0xFFFFE000;
	s3 =	sadd.s32 s5, s16  }
0x101: {  	[hbm4b:s3+s4] =	stream.linear.scatter [tilespmem:s11], [sflag:$0x11], $0x2000, $0x38;
	[tilespmem:$0x15900] =	vst v63  }
0x102: {  	_ =	swait.ge @!p0 [sflag:s6], $0x2000  }
0x103: {  	[sflag:s6] =	ssyncset.done @!p0 $0x0  }
0x104: {  	s3 =	sadd.s32 @!p0 $0x300, s0;
	[sflag:s6] =	ssyncadd.s32 @!p0 $0xFFFFE000;
	s6 =	simm.s32 @!p0 $0x5900  }
0x105: {  	[tilespmem:s6], [sflag:$0x3] =	stream.indirect.gather @!p0 [hbm4b:s2+s7], $0x80, s3, s7, $0xb8;
	[tilespmem:$0x15900] =	vst v63  }
0x106: {  	_ =	swait.ge [sflag:s30], $0x2000  }
0x107: {  	s17 =	rddreg [dreg:$0x7];
	[sflag:s30] =	ssyncset.done $0x0  }
0x108: {  	s6 =	simm.s32 @!p0 $0xE;
	[sflag:s30] =	ssyncadd.s32 $0xFFFFE000;
	s3 =	sadd.s32 s5, s17  }
0x109: {  	[hbm4b:s3+s4] =	stream.linear.scatter [tilespmem:s10], [sflag:$0x12], $0x2000, $0x38;
	[tilespmem:$0x15900] =	vst v63  }
0x10a: {  	_ =	swait.ge @!p0 [sflag:s6], $0x2000  }
0x10b: {  	[sflag:s6] =	ssyncset.done @!p0 $0x0  }
0x10c: {  	s3 =	sadd.s32 @!p0 $0x340, s0;
	[sflag:s6] =	ssyncadd.s32 @!p0 $0xFFFFE000;
	s6 =	simm.s32 @!p0 $0x7900  }
0x10d: {  	[tilespmem:s6], [sflag:$0x4] =	stream.indirect.gather @!p0 [hbm4b:s2+s7], $0x80, s3, s7, $0xb8;
	[tilespmem:$0x15900] =	vst v63  }
0x10e: {  	_ =	swait.ge [sflag:s31], $0x2000  }
0x10f: {  	s19 =	rddreg [dreg:$0x6];
	[sflag:s31] =	ssyncset.done $0x0  }
0x110: {  	[sflag:s31] =	ssyncadd.s32 $0xFFFFE000;
	s3 =	sadd.s32 s5, s19  }
0x111: {  	[hbm4b:s3+s4] =	stream.linear.scatter [tilespmem:s13], [sflag:$0x13], $0x2000, $0x38;
	[tilespmem:$0x15900] =	vst v63  }
0x112: {  	s3 =	simm.s32 @!p0 $0xF  }
0x113: {  	_ =	swait.ge @!p0 [sflag:s3], $0x2000  }
0x114: {  	[sflag:s3] =	ssyncset.done @!p0 $0x0  }
0x115: {  	s0 =	sadd.s32 @!p0 $0x380, s0;
	[sflag:s3] =	ssyncadd.s32 @!p0 $0xFFFFE000;
	s3 =	simm.s32 @!p0 $0x9900  }
0x116: {  	[tilespmem:s3], [sflag:$0x5] =	stream.indirect.gather @!p0 [hbm4b:s2+s7], $0x80, s0, s7, $0xb8;
	[tilespmem:$0x15900] =	vst v63  }
0x117: {  	_ =	swait.ge [sflag:s1], $0x2000  }
0x118: {  	s3 =	rddreg [dreg:$0x5];
	[sflag:s1] =	ssyncset.done $0x0  }
0x119: {  	s0 =	sadd.s32 s5, s3;
	[sflag:s1] =	ssyncadd.s32 $0xFFFFE000;
	s5 =	simm.s32 $0xB  }
0x11a: {  	[hbm4b:s0+s4] =	stream.linear.scatter [tilespmem:s14], [sflag:$0x14], $0x2000, $0x38;
	[tilespmem:$0x15900] =	vst v63  }
0x11b: {  	_ =	swait.ge [sflag:s5], $0x2000  }
0x11c: {  	[sflag:s5] =	ssyncset.done $0x0  }
0x11d: {  	s6 =	simm.s32 $0xC;
	[sflag:s5] =	ssyncadd.s32 $0xFFFFE000  }
0x11e: {  	_ =	swait.ge [sflag:s6], $0x2000  }
0x11f: {  	[sflag:s6] =	ssyncset.done $0x0  }
0x120: {  	s7 =	simm.s32 $0xD;
	[sflag:s6] =	ssyncadd.s32 $0xFFFFE000  }
0x121: {  	_ =	swait.ge [sflag:s7], $0x2000  }
0x122: {  	[sflag:s7] =	ssyncset.done $0x0  }
0x123: {  	s9 =	simm.s32 $0xE;
	[sflag:s7] =	ssyncadd.s32 $0xFFFFE000  }
0x124: {  	_ =	swait.ge [sflag:s9], $0x2000  }
0x125: {  	[sflag:s9] =	ssyncset.done $0x0  }
0x126: {  	s10 =	simm.s32 $0xF;
	[sflag:s9] =	ssyncadd.s32 $0xFFFFE000  }
0x127: {  	_ =	swait.ge [sflag:s10], $0x2000  }
0x128: {  	[sflag:s10] =	ssyncset.done $0x0  }
0x129: {  	s11 =	simm.s32 $0x10;
	[sflag:s10] =	ssyncadd.s32 $0xFFFFE000  }
0x12a: {  	_ =	swait.ge [sflag:s11], $0x2000  }
0x12b: {  	[sflag:s11] =	ssyncset.done $0x0  }
0x12c: {  	s12 =	simm.s32 $0x11;
	[sflag:s11] =	ssyncadd.s32 $0xFFFFE000  }
0x12d: {  	_ =	swait.ge [sflag:s12], $0x2000  }
0x12e: {  	[sflag:s12] =	ssyncset.done $0x0  }
0x12f: {  	s13 =	simm.s32 $0x12;
	[sflag:s12] =	ssyncadd.s32 $0xFFFFE000  }
0x130: {  	_ =	swait.ge [sflag:s13], $0x2000  }
0x131: {  	[sflag:s13] =	ssyncset.done $0x0  }
0x132: {  	s14 =	simm.s32 $0x13;
	[sflag:s13] =	ssyncadd.s32 $0xFFFFE000  }
0x133: {  	_ =	swait.ge [sflag:s14], $0x2000  }
0x134: {  	[sflag:s14] =	ssyncset.done $0x0  }
0x135: {  	s16 =	simm.s32 $0x14;
	[sflag:s14] =	ssyncadd.s32 $0xFFFFE000  }
0x136: {  	_ =	swait.ge [sflag:s16], $0x2000  }
0x137: {  	s17 =	rddreg [dreg:$0xc]  }
0x138: {  	s19 =	rddreg [dreg:$0xb];
	s5 =	sadd.s32 $0x1, s17  }
0x139: {  	p0 =	sne.s32 s5, s19  }
.Ltmp1:
0x13a: {  	_ = 	snop;
	(pc) =	sbr.rel @p0 .LBB2_1-.Ltmp1, $3  }
0x13b: {  	_ =	sdelay $0x1  }
0x13c: {  	[sflag:s16] =	ssyncset.done $0x0  }
0x13d: {  	s15 =	simm.s32 $0x13900;
	[sflag:s16] =	ssyncadd.s32 $0xFFFFE000  }
0x13e: {  	_ =	sfence.sel $0x180000  }
0x13f: {  	[bflag:$0x0] =	sbarrier.arrive $0xFFFF  }
0x140: {  	_ =	strace $0x90000047  }
0x141: {  	s0 =	stileid.u32;
	[bflag:$0x2] =	sbarrier.arrive $0xFFFF  }
0x142: {  	p0 =	sne.s32 s0, $0x0;
	s0 =	rddreg [dreg:$0x3]  }
0x143: {  	s0 =	sadd.s32 @!p0 $0x100000, s0  }
0x144: {  	[sflag:s0] =	ssyncadd.tile.s32 @!p0 $0x1;
	_ =	shalt  }
.Lfunc_end2:
_tile_overlayer_lowered:
.L_overlay_start_2:
0x145: {  	(tag) =	ssettag $0x2  }
0x146: {  	s0 =	rddreg [dreg:$0x0];
	s2 =	stileid.u32  }
0x147: {  	s1 =	rddreg [dreg:$0x1];
	p0 =	sne.s32 s2, $0x0  }
0x148: {  	s3 =	rddreg [dreg:$0x2];
	[bflag:$0x3] =	sbarrier.arrive $0xFFFF;
	s2 =	simm.s32 @!p0 $0x1C15  }
0x149: {  	[timem:s3], [sflag:s2] =	dma.local @!p0 [hbm:s0], s1  }
0x14a: {  	s0 =	simm.s32 @!p0 $0x15  }
0x14b: {  	_ =	swait.ge @!p0 [sflag:s0], s1  }
0x14c: {  	s1 =	ssub.s32 @!p0 $0x0, s1;
	[sflag:s0] =	ssyncset.done @!p0 $0x0  }
0x14d: {  	[sflag:s0] =	ssyncadd.s32 @!p0 s1  }
0x14e: {  	[bflag:$0x3] =	sbarrier.arrive $0xFFFF  }
0x14f: {  	_ =	shalt  }

</sc_bundles>
